<compile_context>
chip_gen: v7x
topology: tpu7x:2x2x1
jax: 0.10.2.dev20260603
libtpu: 0.0.44.dev20260713+nightly
codegen_flags: <defaults>
</compile_context>

<pallas_src>
import functools

import jax
import jax.numpy as jnp
from jax import lax
from jax.experimental import pallas as pl
from jax.experimental.pallas import tpu as pltpu
from jax.experimental.pallas import tpu_sc as plsc

D_MODEL = 128
NUM_CORES = 2
NUM_SUBCORES = 16
NUM_WORKERS = NUM_CORES * NUM_SUBCORES
CHUNK = 128
NBUF = 7


@functools.cache
def _build(total_rows):
    nchunk_w = total_rows // (NUM_WORKERS * CHUNK)
    rows_w = nchunk_w * CHUNK
    nsuper = nchunk_w // NBUF
    mesh = plsc.VectorSubcoreMesh(core_axis_name="c", subcore_axis_name="s")

    @functools.partial(
        pl.kernel,
        mesh=mesh,
        out_type=jax.ShapeDtypeStruct((total_rows, D_MODEL), jnp.float32),
        scratch_types=[
            pltpu.VMEM((rows_w,), jnp.int32),
            pltpu.VMEM((NBUF, CHUNK, D_MODEL), jnp.float32),
            pltpu.SemaphoreType.DMA((NBUF,)),
            pltpu.SemaphoreType.DMA((NBUF,)),
        ],
    )
    def gather_kernel(idx_hbm, table_hbm, out_hbm, idx_v, rows_v, gsem, ssem):
        wid = lax.axis_index("s") * NUM_CORES + lax.axis_index("c")
        base = wid * rows_w
        pltpu.sync_copy(idx_hbm.at[pl.ds(base, rows_w)], idx_v)

        def g_copy(j, b):
            return pltpu.make_async_copy(
                table_hbm.at[idx_v.at[pl.ds(j * CHUNK, CHUNK)]],
                rows_v.at[b],
                gsem.at[b],
            )

        def s_copy(j, b):
            return pltpu.make_async_copy(
                rows_v.at[b],
                out_hbm.at[pl.ds(base + j * CHUNK, CHUNK)],
                ssem.at[b],
            )

        for b in range(NBUF):
            g_copy(b, b).start()

        def super_step(i, carry):
            for b in range(NBUF):
                j = i * NBUF + b
                bn = (b - 1) % NBUF

                @pl.when(j >= 1)
                def _():
                    s_copy(j - 1, bn).wait()

                @pl.when(jnp.logical_and(j >= 1, j + NBUF - 1 < nchunk_w))
                def _():
                    g_copy(j + NBUF - 1, bn).start()

                g_copy(j, b).wait()
                s_copy(j, b).start()
            return carry

        lax.fori_loop(0, nsuper, super_step, 0)
        for j in range(nsuper * NBUF, nchunk_w):
            s_copy(j - 1, (j - 1) % NBUF).wait()
            g_copy(j, j % NBUF).wait()
            s_copy(j, j % NBUF).start()
        s_copy(nchunk_w - 1, (nchunk_w - 1) % NBUF).wait()

    return gather_kernel


def kernel(token_ids, weight):
    b, s = token_ids.shape
    total = b * s
    idx = token_ids.reshape(total).astype(jnp.int32)
    out = _build(total)(idx, weight)
    return out.reshape(b, s, D_MODEL)

# --- scband reference (transcript-rebuilt; emitter-appended) ---
"""Pipeline reference for scband-embedding-24412594110763 (READ-ONLY COPY).

The authoritative reference and input builder live on the scoring server;
editing this copy changes nothing except your own understanding.
"""

import jax, jax.numpy as jnp
import numpy as np
import math

VOCAB_SIZE = 100000
D_MODEL = 128

def setup_inputs(seed: int = 0) -> dict:
    key = jax.random.key(seed)
    k_idx, k_w = jax.random.split(key)
    token_ids = jax.random.randint(k_idx, (1024, 200), 0, VOCAB_SIZE, dtype=jnp.int64 if jax.config.jax_enable_x64 else jnp.int32)
    weight = jax.random.normal(k_w, (VOCAB_SIZE, D_MODEL), dtype=jnp.float32) * math.sqrt(1.0 / D_MODEL)
    return {"token_ids": token_ids, "weight": weight}

def reference(token_ids, weight):
    # Faithful translation of Embedding.forward: self.weight[token_ids]
    return jnp.take(weight, token_ids, axis=0)

if __name__ == "__main__":
    import jax
    _d = setup_inputs()
    print(jax.jit(kernel)(*tuple(_d.values())))

</pallas_src>

<mosaic_0001>
#map = affine_map<(d0, d1) -> (0)>
#map1 = affine_map<(d0, d1) -> (0, 0)>
module attributes {stable_mosaic.version = 14 : i64} {
  func.func @gather_kernel(%arg0: i32, %arg1: i32, %arg2: memref<204800xi32, #tpu.memory_space<hbm>>, %arg3: memref<100000x128xf32, #tpu.memory_space<hbm>>, %arg4: memref<204800x128xf32, #tpu.memory_space<hbm>>, %arg5: memref<6400xi32, #tpu.memory_space<vmem>>, %arg6: memref<7x128x128xf32, #tpu.memory_space<vmem>>, %arg7: memref<7x!tpu.dma_semaphore, #tpu.memory_space<semaphore_mem>>, %arg8: memref<7x!tpu.dma_semaphore, #tpu.memory_space<semaphore_mem>>) attributes {dimension_semantics = [#tpu.dimension_semantics<core_parallel>, #tpu.dimension_semantics<subcore_parallel>], iteration_bounds = array<i64: 2, 16>, scalar_prefetch = 0 : i64, scratch_operands = 4 : i64, tpu.core_type = #tpu.core_type<sc_vector_subcore>, window_params = [{transform_indices = #map}, {transform_indices = #map1}, {transform_indices = #map1}]} {
    %mul3A = arith.constant 2 : i32
    %mul3A_0 = arith.muli %arg1, %mul3A : i32
    %add3A = arith.addi %mul3A_0, %arg0 : i32
    %mul3A_1 = arith.constant 6400 : i32
    %mul3A_2 = arith.muli %add3A, %mul3A_1 : i32
    "tpu.region"() ({
      %run_scoped3A = tpu.sem_alloc : memref<!tpu.dma_semaphore, #tpu.memory_space<semaphore_mem>>
      %dma_start3A_164 = tpu.memref_slice %arg2[%mul3A_2] : memref<204800xi32, #tpu.memory_space<hbm>> -> memref<6400xi32, #tpu.memory_space<hbm>>
      %dma_start3A_165 = tpu.memref_slice %arg2[%mul3A_2] : memref<204800xi32, #tpu.memory_space<hbm>> -> memref<6400xi32, #tpu.memory_space<hbm>>
      tpu.enqueue_dma source(%dma_start3A_165 : memref<6400xi32, #tpu.memory_space<hbm>>) target(%arg5 : memref<6400xi32, #tpu.memory_space<vmem>>) target_semaphore(%run_scoped3A : memref<!tpu.dma_semaphore, #tpu.memory_space<semaphore_mem>>)
      %dma_wait3A_166 = tpu.memref_slice %arg2[%mul3A_2] : memref<204800xi32, #tpu.memory_space<hbm>> -> memref<6400xi32, #tpu.memory_space<hbm>>
      %dma_wait3A_167 = tpu.memref_slice %arg2[%mul3A_2] : memref<204800xi32, #tpu.memory_space<hbm>> -> memref<6400xi32, #tpu.memory_space<hbm>>
      tpu.wait_dma2 semaphore(%run_scoped3A : memref<!tpu.dma_semaphore, #tpu.memory_space<semaphore_mem>>) src(%dma_wait3A_167 : memref<6400xi32, #tpu.memory_space<hbm>>) dst(%arg5 : memref<6400xi32, #tpu.memory_space<vmem>>)
      tpu.yield
    }) : () -> ()
    %dma_start3A = arith.constant 0 : i32
    %dma_start3A_3 = arith.constant 0 : i32
    %dma_start3A_4 = arith.constant 0 : i32
    %dma_start3A_5 = arith.constant 0 : i32
    %dma_start3A_6 = tpu.memref_slice %arg6[%dma_start3A, %dma_start3A_4, %dma_start3A_5] : memref<7x128x128xf32, #tpu.memory_space<vmem>> -> memref<1x128x128xf32, #tpu.memory_space<vmem>>
    %dma_start3A_7 = tpu.memref_squeeze %dma_start3A_6 : memref<1x128x128xf32, #tpu.memory_space<vmem>> -> memref<128x128xf32, #tpu.memory_space<vmem>>
    %dma_start3A_8 = arith.constant 0 : i32
    %dma_start3A_9 = tpu.memref_slice %arg5[%dma_start3A_8] : memref<6400xi32, #tpu.memory_space<vmem>> -> memref<128xi32, #tpu.memory_space<vmem>>
    %dma_start3A_10 = arith.constant 0 : i32
    %dma_start3A_11 = arith.constant 0 : i32
    %dma_start3A_12 = tpu.memref_slice %arg3[%dma_start3A_10, %dma_start3A_11] : memref<100000x128xf32, #tpu.memory_space<hbm>> -> memref<100000x128xf32, #tpu.memory_space<hbm>>
    %dma_start3A_13 = tpu.memref_slice %arg7[%dma_start3A_3] : memref<7x!tpu.dma_semaphore, #tpu.memory_space<semaphore_mem>> -> memref<1x!tpu.dma_semaphore, #tpu.memory_space<semaphore_mem>>
    %dma_start3A_14 = tpu.memref_squeeze %dma_start3A_13 : memref<1x!tpu.dma_semaphore, #tpu.memory_space<semaphore_mem>> -> memref<!tpu.dma_semaphore, #tpu.memory_space<semaphore_mem>>
    tpu.enqueue_indirect_dma source(%dma_start3A_12 : memref<100000x128xf32, #tpu.memory_space<hbm>>) target(%dma_start3A_7 : memref<128x128xf32, #tpu.memory_space<vmem>>) offsets(%dma_start3A_9 : memref<128xi32, #tpu.memory_space<vmem>>) semaphore(%dma_start3A_14 : memref<!tpu.dma_semaphore, #tpu.memory_space<semaphore_mem>>)
    %dma_start3A_15 = arith.constant 1 : i32
    %dma_start3A_16 = arith.constant 1 : i32
    %dma_start3A_17 = arith.constant 0 : i32
    %dma_start3A_18 = arith.constant 0 : i32
    %dma_start3A_19 = tpu.memref_slice %arg6[%dma_start3A_15, %dma_start3A_17, %dma_start3A_18] : memref<7x128x128xf32, #tpu.memory_space<vmem>> -> memref<1x128x128xf32, #tpu.memory_space<vmem>>
    %dma_start3A_20 = tpu.memref_squeeze %dma_start3A_19 : memref<1x128x128xf32, #tpu.memory_space<vmem>> -> memref<128x128xf32, #tpu.memory_space<vmem>>
    %dma_start3A_21 = arith.constant 128 : i32
    %dma_start3A_22 = tpu.memref_slice %arg5[%dma_start3A_21] : memref<6400xi32, #tpu.memory_space<vmem>> -> memref<128xi32, #tpu.memory_space<vmem>>
    %dma_start3A_23 = arith.constant 0 : i32
    %dma_start3A_24 = arith.constant 0 : i32
    %dma_start3A_25 = tpu.memref_slice %arg3[%dma_start3A_23, %dma_start3A_24] : memref<100000x128xf32, #tpu.memory_space<hbm>> -> memref<100000x128xf32, #tpu.memory_space<hbm>>
    %dma_start3A_26 = tpu.memref_slice %arg7[%dma_start3A_16] : memref<7x!tpu.dma_semaphore, #tpu.memory_space<semaphore_mem>> -> memref<1x!tpu.dma_semaphore, #tpu.memory_space<semaphore_mem>>
    %dma_start3A_27 = tpu.memref_squeeze %dma_start3A_26 : memref<1x!tpu.dma_semaphore, #tpu.memory_space<semaphore_mem>> -> memref<!tpu.dma_semaphore, #tpu.memory_space<semaphore_mem>>
    tpu.enqueue_indirect_dma source(%dma_start3A_25 : memref<100000x128xf32, #tpu.memory_space<hbm>>) target(%dma_start3A_20 : memref<128x128xf32, #tpu.memory_space<vmem>>) offsets(%dma_start3A_22 : memref<128xi32, #tpu.memory_space<vmem>>) semaphore(%dma_start3A_27 : memref<!tpu.dma_semaphore, #tpu.memory_space<semaphore_mem>>)
    %dma_start3A_28 = arith.constant 2 : i32
    %dma_start3A_29 = arith.constant 2 : i32
    %dma_start3A_30 = arith.constant 0 : i32
    %dma_start3A_31 = arith.constant 0 : i32
    %dma_start3A_32 = tpu.memref_slice %arg6[%dma_start3A_28, %dma_start3A_30, %dma_start3A_31] : memref<7x128x128xf32, #tpu.memory_space<vmem>> -> memref<1x128x128xf32, #tpu.memory_space<vmem>>
    %dma_start3A_33 = tpu.memref_squeeze %dma_start3A_32 : memref<1x128x128xf32, #tpu.memory_space<vmem>> -> memref<128x128xf32, #tpu.memory_space<vmem>>
    %dma_start3A_34 = arith.constant 256 : i32
    %dma_start3A_35 = tpu.memref_slice %arg5[%dma_start3A_34] : memref<6400xi32, #tpu.memory_space<vmem>> -> memref<128xi32, #tpu.memory_space<vmem>>
    %dma_start3A_36 = arith.constant 0 : i32
    %dma_start3A_37 = arith.constant 0 : i32
    %dma_start3A_38 = tpu.memref_slice %arg3[%dma_start3A_36, %dma_start3A_37] : memref<100000x128xf32, #tpu.memory_space<hbm>> -> memref<100000x128xf32, #tpu.memory_space<hbm>>
    %dma_start3A_39 = tpu.memref_slice %arg7[%dma_start3A_29] : memref<7x!tpu.dma_semaphore, #tpu.memory_space<semaphore_mem>> -> memref<1x!tpu.dma_semaphore, #tpu.memory_space<semaphore_mem>>
    %dma_start3A_40 = tpu.memref_squeeze %dma_start3A_39 : memref<1x!tpu.dma_semaphore, #tpu.memory_space<semaphore_mem>> -> memref<!tpu.dma_semaphore, #tpu.memory_space<semaphore_mem>>
    tpu.enqueue_indirect_dma source(%dma_start3A_38 : memref<100000x128xf32, #tpu.memory_space<hbm>>) target(%dma_start3A_33 : memref<128x128xf32, #tpu.memory_space<vmem>>) offsets(%dma_start3A_35 : memref<128xi32, #tpu.memory_space<vmem>>) semaphore(%dma_start3A_40 : memref<!tpu.dma_semaphore, #tpu.memory_space<semaphore_mem>>)
    %dma_start3A_41 = arith.constant 3 : i32
    %dma_start3A_42 = arith.constant 3 : i32
    %dma_start3A_43 = arith.constant 0 : i32
    %dma_start3A_44 = arith.constant 0 : i32
    %dma_start3A_45 = tpu.memref_slice %arg6[%dma_start3A_41, %dma_start3A_43, %dma_start3A_44] : memref<7x128x128xf32, #tpu.memory_space<vmem>> -> memref<1x128x128xf32, #tpu.memory_space<vmem>>
    %dma_start3A_46 = tpu.memref_squeeze %dma_start3A_45 : memref<1x128x128xf32, #tpu.memory_space<vmem>> -> memref<128x128xf32, #tpu.memory_space<vmem>>
    %dma_start3A_47 = arith.constant 384 : i32
    %dma_start3A_48 = tpu.memref_slice %arg5[%dma_start3A_47] : memref<6400xi32, #tpu.memory_space<vmem>> -> memref<128xi32, #tpu.memory_space<vmem>>
    %dma_start3A_49 = arith.constant 0 : i32
    %dma_start3A_50 = arith.constant 0 : i32
    %dma_start3A_51 = tpu.memref_slice %arg3[%dma_start3A_49, %dma_start3A_50] : memref<100000x128xf32, #tpu.memory_space<hbm>> -> memref<100000x128xf32, #tpu.memory_space<hbm>>
    %dma_start3A_52 = tpu.memref_slice %arg7[%dma_start3A_42] : memref<7x!tpu.dma_semaphore, #tpu.memory_space<semaphore_mem>> -> memref<1x!tpu.dma_semaphore, #tpu.memory_space<semaphore_mem>>
    %dma_start3A_53 = tpu.memref_squeeze %dma_start3A_52 : memref<1x!tpu.dma_semaphore, #tpu.memory_space<semaphore_mem>> -> memref<!tpu.dma_semaphore, #tpu.memory_space<semaphore_mem>>
    tpu.enqueue_indirect_dma source(%dma_start3A_51 : memref<100000x128xf32, #tpu.memory_space<hbm>>) target(%dma_start3A_46 : memref<128x128xf32, #tpu.memory_space<vmem>>) offsets(%dma_start3A_48 : memref<128xi32, #tpu.memory_space<vmem>>) semaphore(%dma_start3A_53 : memref<!tpu.dma_semaphore, #tpu.memory_space<semaphore_mem>>)
    %dma_start3A_54 = arith.constant 4 : i32
    %dma_start3A_55 = arith.constant 4 : i32
    %dma_start3A_56 = arith.constant 0 : i32
    %dma_start3A_57 = arith.constant 0 : i32
    %dma_start3A_58 = tpu.memref_slice %arg6[%dma_start3A_54, %dma_start3A_56, %dma_start3A_57] : memref<7x128x128xf32, #tpu.memory_space<vmem>> -> memref<1x128x128xf32, #tpu.memory_space<vmem>>
    %dma_start3A_59 = tpu.memref_squeeze %dma_start3A_58 : memref<1x128x128xf32, #tpu.memory_space<vmem>> -> memref<128x128xf32, #tpu.memory_space<vmem>>
    %dma_start3A_60 = arith.constant 512 : i32
    %dma_start3A_61 = tpu.memref_slice %arg5[%dma_start3A_60] : memref<6400xi32, #tpu.memory_space<vmem>> -> memref<128xi32, #tpu.memory_space<vmem>>
    %dma_start3A_62 = arith.constant 0 : i32
    %dma_start3A_63 = arith.constant 0 : i32
    %dma_start3A_64 = tpu.memref_slice %arg3[%dma_start3A_62, %dma_start3A_63] : memref<100000x128xf32, #tpu.memory_space<hbm>> -> memref<100000x128xf32, #tpu.memory_space<hbm>>
    %dma_start3A_65 = tpu.memref_slice %arg7[%dma_start3A_55] : memref<7x!tpu.dma_semaphore, #tpu.memory_space<semaphore_mem>> -> memref<1x!tpu.dma_semaphore, #tpu.memory_space<semaphore_mem>>
    %dma_start3A_66 = tpu.memref_squeeze %dma_start3A_65 : memref<1x!tpu.dma_semaphore, #tpu.memory_space<semaphore_mem>> -> memref<!tpu.dma_semaphore, #tpu.memory_space<semaphore_mem>>
    tpu.enqueue_indirect_dma source(%dma_start3A_64 : memref<100000x128xf32, #tpu.memory_space<hbm>>) target(%dma_start3A_59 : memref<128x128xf32, #tpu.memory_space<vmem>>) offsets(%dma_start3A_61 : memref<128xi32, #tpu.memory_space<vmem>>) semaphore(%dma_start3A_66 : memref<!tpu.dma_semaphore, #tpu.memory_space<semaphore_mem>>)
    %dma_start3A_67 = arith.constant 5 : i32
    %dma_start3A_68 = arith.constant 5 : i32
    %dma_start3A_69 = arith.constant 0 : i32
    %dma_start3A_70 = arith.constant 0 : i32
    %dma_start3A_71 = tpu.memref_slice %arg6[%dma_start3A_67, %dma_start3A_69, %dma_start3A_70] : memref<7x128x128xf32, #tpu.memory_space<vmem>> -> memref<1x128x128xf32, #tpu.memory_space<vmem>>
    %dma_start3A_72 = tpu.memref_squeeze %dma_start3A_71 : memref<1x128x128xf32, #tpu.memory_space<vmem>> -> memref<128x128xf32, #tpu.memory_space<vmem>>
    %dma_start3A_73 = arith.constant 640 : i32
    %dma_start3A_74 = tpu.memref_slice %arg5[%dma_start3A_73] : memref<6400xi32, #tpu.memory_space<vmem>> -> memref<128xi32, #tpu.memory_space<vmem>>
    %dma_start3A_75 = arith.constant 0 : i32
    %dma_start3A_76 = arith.constant 0 : i32
    %dma_start3A_77 = tpu.memref_slice %arg3[%dma_start3A_75, %dma_start3A_76] : memref<100000x128xf32, #tpu.memory_space<hbm>> -> memref<100000x128xf32, #tpu.memory_space<hbm>>
    %dma_start3A_78 = tpu.memref_slice %arg7[%dma_start3A_68] : memref<7x!tpu.dma_semaphore, #tpu.memory_space<semaphore_mem>> -> memref<1x!tpu.dma_semaphore, #tpu.memory_space<semaphore_mem>>
    %dma_start3A_79 = tpu.memref_squeeze %dma_start3A_78 : memref<1x!tpu.dma_semaphore, #tpu.memory_space<semaphore_mem>> -> memref<!tpu.dma_semaphore, #tpu.memory_space<semaphore_mem>>
    tpu.enqueue_indirect_dma source(%dma_start3A_77 : memref<100000x128xf32, #tpu.memory_space<hbm>>) target(%dma_start3A_72 : memref<128x128xf32, #tpu.memory_space<vmem>>) offsets(%dma_start3A_74 : memref<128xi32, #tpu.memory_space<vmem>>) semaphore(%dma_start3A_79 : memref<!tpu.dma_semaphore, #tpu.memory_space<semaphore_mem>>)
    %dma_start3A_80 = arith.constant 6 : i32
    %dma_start3A_81 = arith.constant 6 : i32
    %dma_start3A_82 = arith.constant 0 : i32
    %dma_start3A_83 = arith.constant 0 : i32
    %dma_start3A_84 = tpu.memref_slice %arg6[%dma_start3A_80, %dma_start3A_82, %dma_start3A_83] : memref<7x128x128xf32, #tpu.memory_space<vmem>> -> memref<1x128x128xf32, #tpu.memory_space<vmem>>
    %dma_start3A_85 = tpu.memref_squeeze %dma_start3A_84 : memref<1x128x128xf32, #tpu.memory_space<vmem>> -> memref<128x128xf32, #tpu.memory_space<vmem>>
    %dma_start3A_86 = arith.constant 768 : i32
    %dma_start3A_87 = tpu.memref_slice %arg5[%dma_start3A_86] : memref<6400xi32, #tpu.memory_space<vmem>> -> memref<128xi32, #tpu.memory_space<vmem>>
    %dma_start3A_88 = arith.constant 0 : i32
    %dma_start3A_89 = arith.constant 0 : i32
    %dma_start3A_90 = tpu.memref_slice %arg3[%dma_start3A_88, %dma_start3A_89] : memref<100000x128xf32, #tpu.memory_space<hbm>> -> memref<100000x128xf32, #tpu.memory_space<hbm>>
    %dma_start3A_91 = tpu.memref_slice %arg7[%dma_start3A_81] : memref<7x!tpu.dma_semaphore, #tpu.memory_space<semaphore_mem>> -> memref<1x!tpu.dma_semaphore, #tpu.memory_space<semaphore_mem>>
    %dma_start3A_92 = tpu.memref_squeeze %dma_start3A_91 : memref<1x!tpu.dma_semaphore, #tpu.memory_space<semaphore_mem>> -> memref<!tpu.dma_semaphore, #tpu.memory_space<semaphore_mem>>
    tpu.enqueue_indirect_dma source(%dma_start3A_90 : memref<100000x128xf32, #tpu.memory_space<hbm>>) target(%dma_start3A_85 : memref<128x128xf32, #tpu.memory_space<vmem>>) offsets(%dma_start3A_87 : memref<128xi32, #tpu.memory_space<vmem>>) semaphore(%dma_start3A_92 : memref<!tpu.dma_semaphore, #tpu.memory_space<semaphore_mem>>)
    %scan3A = arith.constant 0 : i32
    %scan3A_93 = arith.constant 0 : i32
    %scan3A_94 = arith.constant 7 : i32
    %scan3A_95 = arith.addi %scan3A_93, %scan3A_94 : i32
    %scan3A_96 = arith.constant 1 : i32
    scf.for %scan3A_164 = %scan3A_93 to %scan3A_95 step %scan3A_96  : i32 {
      %mul3A_165 = arith.constant 7 : i32
      %mul3A_166 = arith.muli %scan3A_164, %mul3A_165 : i32
      %add3A_167 = arith.constant 0 : i32
      %add3A_168 = arith.addi %mul3A_166, %add3A_167 : i32
      %ge3A = arith.constant 1 : i32
      %ge3A_169 = arith.cmpi sge, %add3A_168, %ge3A : i32
      %convert_element_type3A = arith.extui %ge3A_169 : i1 to i32
      %cond3A = arith.constant 0 : i32
      %cond3A_170 = arith.cmpi ne, %convert_element_type3A, %cond3A : i32
      scf.if %cond3A_170 {
        %sub3A_537 = arith.constant 1 : i32
        %sub3A_538 = arith.subi %add3A_168, %sub3A_537 : i32
        %mul3A_539 = arith.constant 128 : i32
        %mul3A_540 = arith.muli %sub3A_538, %mul3A_539 : i32
        %add3A_541 = arith.addi %mul3A_2, %mul3A_540 : i32
        %dma_wait3A_542 = arith.constant 6 : i32
        %dma_wait3A_543 = arith.constant 6 : i32
        %dma_wait3A_544 = arith.constant 0 : i32
        %dma_wait3A_545 = arith.constant 0 : i32
        %dma_wait3A_546 = tpu.memref_slice %arg6[%dma_wait3A_542, %dma_wait3A_544, %dma_wait3A_545] : memref<7x128x128xf32, #tpu.memory_space<vmem>> -> memref<1x128x128xf32, #tpu.memory_space<vmem>>
        %dma_wait3A_547 = tpu.memref_squeeze %dma_wait3A_546 : memref<1x128x128xf32, #tpu.memory_space<vmem>> -> memref<128x128xf32, #tpu.memory_space<vmem>>
        %dma_wait3A_548 = arith.constant 0 : i32
        %dma_wait3A_549 = tpu.memref_slice %arg4[%add3A_541, %dma_wait3A_548] : memref<204800x128xf32, #tpu.memory_space<hbm>> -> memref<128x128xf32, #tpu.memory_space<hbm>>
        %dma_wait3A_550 = tpu.memref_slice %arg8[%dma_wait3A_543] : memref<7x!tpu.dma_semaphore, #tpu.memory_space<semaphore_mem>> -> memref<1x!tpu.dma_semaphore, #tpu.memory_space<semaphore_mem>>
        %dma_wait3A_551 = tpu.memref_squeeze %dma_wait3A_550 : memref<1x!tpu.dma_semaphore, #tpu.memory_space<semaphore_mem>> -> memref<!tpu.dma_semaphore, #tpu.memory_space<semaphore_mem>>
        %dma_wait3A_552 = arith.constant 0 : i32
        %dma_wait3A_553 = tpu.memref_slice %arg4[%add3A_541, %dma_wait3A_552] : memref<204800x128xf32, #tpu.memory_space<hbm>> -> memref<128x128xf32, #tpu.memory_space<hbm>>
        %dma_wait3A_554 = arith.constant 0 : i32
        %dma_wait3A_555 = arith.constant 0 : i32
        %dma_wait3A_556 = tpu.memref_slice %arg6[%dma_wait3A_542, %dma_wait3A_554, %dma_wait3A_555] : memref<7x128x128xf32, #tpu.memory_space<vmem>> -> memref<1x128x128xf32, #tpu.memory_space<vmem>>
        %dma_wait3A_557 = tpu.memref_squeeze %dma_wait3A_556 : memref<1x128x128xf32, #tpu.memory_space<vmem>> -> memref<128x128xf32, #tpu.memory_space<vmem>>
        tpu.wait_dma2 semaphore(%dma_wait3A_551 : memref<!tpu.dma_semaphore, #tpu.memory_space<semaphore_mem>>) src(%dma_wait3A_557 : memref<128x128xf32, #tpu.memory_space<vmem>>) dst(%dma_wait3A_553 : memref<128x128xf32, #tpu.memory_space<hbm>>)
      } else {
      }
      %ge3A_171 = arith.constant 1 : i32
      %ge3A_172 = arith.cmpi sge, %add3A_168, %ge3A_171 : i32
      %add3A_173 = arith.constant 7 : i32
      %add3A_174 = arith.addi %add3A_168, %add3A_173 : i32
      %sub3A = arith.constant 1 : i32
      %sub3A_175 = arith.subi %add3A_174, %sub3A : i32
      %lt3A = arith.constant 50 : i32
      %lt3A_176 = arith.cmpi slt, %sub3A_175, %lt3A : i32
      %and3A = arith.andi %ge3A_172, %lt3A_176 : i1
      %convert_element_type3A_177 = arith.extui %and3A : i1 to i32
      %cond3A_178 = arith.constant 0 : i32
      %cond3A_179 = arith.cmpi ne, %convert_element_type3A_177, %cond3A_178 : i32
      scf.if %cond3A_179 {
        %add3A_537 = arith.constant 7 : i32
        %add3A_538 = arith.addi %add3A_168, %add3A_537 : i32
        %sub3A_539 = arith.constant 1 : i32
        %sub3A_540 = arith.subi %add3A_538, %sub3A_539 : i32
        %mul3A_541 = arith.constant 128 : i32
        %mul3A_542 = arith.muli %sub3A_540, %mul3A_541 : i32
        %dma_start3A_543 = arith.constant 6 : i32
        %dma_start3A_544 = arith.constant 6 : i32
        %dma_start3A_545 = arith.constant 0 : i32
        %dma_start3A_546 = arith.constant 0 : i32
        %dma_start3A_547 = tpu.memref_slice %arg6[%dma_start3A_543, %dma_start3A_545, %dma_start3A_546] : memref<7x128x128xf32, #tpu.memory_space<vmem>> -> memref<1x128x128xf32, #tpu.memory_space<vmem>>
        %dma_start3A_548 = tpu.memref_squeeze %dma_start3A_547 : memref<1x128x128xf32, #tpu.memory_space<vmem>> -> memref<128x128xf32, #tpu.memory_space<vmem>>
        %dma_start3A_549 = tpu.memref_slice %arg5[%mul3A_542] : memref<6400xi32, #tpu.memory_space<vmem>> -> memref<128xi32, #tpu.memory_space<vmem>>
        %dma_start3A_550 = arith.constant 0 : i32
        %dma_start3A_551 = arith.constant 0 : i32
        %dma_start3A_552 = tpu.memref_slice %arg3[%dma_start3A_550, %dma_start3A_551] : memref<100000x128xf32, #tpu.memory_space<hbm>> -> memref<100000x128xf32, #tpu.memory_space<hbm>>
        %dma_start3A_553 = tpu.memref_slice %arg7[%dma_start3A_544] : memref<7x!tpu.dma_semaphore, #tpu.memory_space<semaphore_mem>> -> memref<1x!tpu.dma_semaphore, #tpu.memory_space<semaphore_mem>>
        %dma_start3A_554 = tpu.memref_squeeze %dma_start3A_553 : memref<1x!tpu.dma_semaphore, #tpu.memory_space<semaphore_mem>> -> memref<!tpu.dma_semaphore, #tpu.memory_space<semaphore_mem>>
        tpu.enqueue_indirect_dma source(%dma_start3A_552 : memref<100000x128xf32, #tpu.memory_space<hbm>>) target(%dma_start3A_548 : memref<128x128xf32, #tpu.memory_space<vmem>>) offsets(%dma_start3A_549 : memref<128xi32, #tpu.memory_space<vmem>>) semaphore(%dma_start3A_554 : memref<!tpu.dma_semaphore, #tpu.memory_space<semaphore_mem>>)
      } else {
      }
      %mul3A_180 = arith.constant 128 : i32
      %mul3A_181 = arith.muli %add3A_168, %mul3A_180 : i32
      %dma_wait3A_182 = arith.constant 0 : i32
      %dma_wait3A_183 = arith.constant 0 : i32
      %dma_wait3A_184 = arith.constant 0 : i32
      %dma_wait3A_185 = arith.constant 0 : i32
      %dma_wait3A_186 = tpu.memref_slice %arg6[%dma_wait3A_182, %dma_wait3A_184, %dma_wait3A_185] : memref<7x128x128xf32, #tpu.memory_space<vmem>> -> memref<1x128x128xf32, #tpu.memory_space<vmem>>
      %dma_wait3A_187 = tpu.memref_squeeze %dma_wait3A_186 : memref<1x128x128xf32, #tpu.memory_space<vmem>> -> memref<128x128xf32, #tpu.memory_space<vmem>>
      %dma_wait3A_188 = tpu.memref_slice %arg5[%mul3A_181] : memref<6400xi32, #tpu.memory_space<vmem>> -> memref<128xi32, #tpu.memory_space<vmem>>
      %dma_wait3A_189 = arith.constant 0 : i32
      %dma_wait3A_190 = arith.constant 0 : i32
      %dma_wait3A_191 = tpu.memref_slice %arg3[%dma_wait3A_189, %dma_wait3A_190] : memref<100000x128xf32, #tpu.memory_space<hbm>> -> memref<100000x128xf32, #tpu.memory_space<hbm>>
      %dma_wait3A_192 = tpu.memref_slice %arg7[%dma_wait3A_183] : memref<7x!tpu.dma_semaphore, #tpu.memory_space<semaphore_mem>> -> memref<1x!tpu.dma_semaphore, #tpu.memory_space<semaphore_mem>>
      %dma_wait3A_193 = tpu.memref_squeeze %dma_wait3A_192 : memref<1x!tpu.dma_semaphore, #tpu.memory_space<semaphore_mem>> -> memref<!tpu.dma_semaphore, #tpu.memory_space<semaphore_mem>>
      tpu.wait_indirect_dma semaphore(%dma_wait3A_193 : memref<!tpu.dma_semaphore, #tpu.memory_space<semaphore_mem>>) src(%dma_wait3A_191 : memref<100000x128xf32, #tpu.memory_space<hbm>>) dst(%dma_wait3A_187 : memref<128x128xf32, #tpu.memory_space<vmem>>)
      %mul3A_194 = arith.constant 128 : i32
      %mul3A_195 = arith.muli %add3A_168, %mul3A_194 : i32
      %add3A_196 = arith.addi %mul3A_2, %mul3A_195 : i32
      %dma_start3A_197 = arith.constant 0 : i32
      %dma_start3A_198 = arith.constant 0 : i32
      %dma_start3A_199 = arith.constant 0 : i32
      %dma_start3A_200 = arith.constant 0 : i32
      %dma_start3A_201 = tpu.memref_slice %arg6[%dma_start3A_197, %dma_start3A_199, %dma_start3A_200] : memref<7x128x128xf32, #tpu.memory_space<vmem>> -> memref<1x128x128xf32, #tpu.memory_space<vmem>>
      %dma_start3A_202 = tpu.memref_squeeze %dma_start3A_201 : memref<1x128x128xf32, #tpu.memory_space<vmem>> -> memref<128x128xf32, #tpu.memory_space<vmem>>
      %dma_start3A_203 = arith.constant 0 : i32
      %dma_start3A_204 = tpu.memref_slice %arg4[%add3A_196, %dma_start3A_203] : memref<204800x128xf32, #tpu.memory_space<hbm>> -> memref<128x128xf32, #tpu.memory_space<hbm>>
      %dma_start3A_205 = tpu.memref_slice %arg8[%dma_start3A_198] : memref<7x!tpu.dma_semaphore, #tpu.memory_space<semaphore_mem>> -> memref<1x!tpu.dma_semaphore, #tpu.memory_space<semaphore_mem>>
      %dma_start3A_206 = tpu.memref_squeeze %dma_start3A_205 : memref<1x!tpu.dma_semaphore, #tpu.memory_space<semaphore_mem>> -> memref<!tpu.dma_semaphore, #tpu.memory_space<semaphore_mem>>
      %dma_start3A_207 = arith.constant 0 : i32
      %dma_start3A_208 = tpu.memref_slice %arg4[%add3A_196, %dma_start3A_207] : memref<204800x128xf32, #tpu.memory_space<hbm>> -> memref<128x128xf32, #tpu.memory_space<hbm>>
      %dma_start3A_209 = arith.constant 0 : i32
      %dma_start3A_210 = arith.constant 0 : i32
      %dma_start3A_211 = tpu.memref_slice %arg6[%dma_start3A_197, %dma_start3A_209, %dma_start3A_210] : memref<7x128x128xf32, #tpu.memory_space<vmem>> -> memref<1x128x128xf32, #tpu.memory_space<vmem>>
      %dma_start3A_212 = tpu.memref_squeeze %dma_start3A_211 : memref<1x128x128xf32, #tpu.memory_space<vmem>> -> memref<128x128xf32, #tpu.memory_space<vmem>>
      tpu.enqueue_dma source(%dma_start3A_212 : memref<128x128xf32, #tpu.memory_space<vmem>>) target(%dma_start3A_208 : memref<128x128xf32, #tpu.memory_space<hbm>>) target_semaphore(%dma_start3A_206 : memref<!tpu.dma_semaphore, #tpu.memory_space<semaphore_mem>>)
      %mul3A_213 = arith.constant 7 : i32
      %mul3A_214 = arith.muli %scan3A_164, %mul3A_213 : i32
      %add3A_215 = arith.constant 1 : i32
      %add3A_216 = arith.addi %mul3A_214, %add3A_215 : i32
      %ge3A_217 = arith.constant 1 : i32
      %ge3A_218 = arith.cmpi sge, %add3A_216, %ge3A_217 : i32
      %convert_element_type3A_219 = arith.extui %ge3A_218 : i1 to i32
      %cond3A_220 = arith.constant 0 : i32
      %cond3A_221 = arith.cmpi ne, %convert_element_type3A_219, %cond3A_220 : i32
      scf.if %cond3A_221 {
        %sub3A_537 = arith.constant 1 : i32
        %sub3A_538 = arith.subi %add3A_216, %sub3A_537 : i32
        %mul3A_539 = arith.constant 128 : i32
        %mul3A_540 = arith.muli %sub3A_538, %mul3A_539 : i32
        %add3A_541 = arith.addi %mul3A_2, %mul3A_540 : i32
        %dma_wait3A_542 = arith.constant 0 : i32
        %dma_wait3A_543 = arith.constant 0 : i32
        %dma_wait3A_544 = arith.constant 0 : i32
        %dma_wait3A_545 = arith.constant 0 : i32
        %dma_wait3A_546 = tpu.memref_slice %arg6[%dma_wait3A_542, %dma_wait3A_544, %dma_wait3A_545] : memref<7x128x128xf32, #tpu.memory_space<vmem>> -> memref<1x128x128xf32, #tpu.memory_space<vmem>>
        %dma_wait3A_547 = tpu.memref_squeeze %dma_wait3A_546 : memref<1x128x128xf32, #tpu.memory_space<vmem>> -> memref<128x128xf32, #tpu.memory_space<vmem>>
        %dma_wait3A_548 = arith.constant 0 : i32
        %dma_wait3A_549 = tpu.memref_slice %arg4[%add3A_541, %dma_wait3A_548] : memref<204800x128xf32, #tpu.memory_space<hbm>> -> memref<128x128xf32, #tpu.memory_space<hbm>>
        %dma_wait3A_550 = tpu.memref_slice %arg8[%dma_wait3A_543] : memref<7x!tpu.dma_semaphore, #tpu.memory_space<semaphore_mem>> -> memref<1x!tpu.dma_semaphore, #tpu.memory_space<semaphore_mem>>
        %dma_wait3A_551 = tpu.memref_squeeze %dma_wait3A_550 : memref<1x!tpu.dma_semaphore, #tpu.memory_space<semaphore_mem>> -> memref<!tpu.dma_semaphore, #tpu.memory_space<semaphore_mem>>
        %dma_wait3A_552 = arith.constant 0 : i32
        %dma_wait3A_553 = tpu.memref_slice %arg4[%add3A_541, %dma_wait3A_552] : memref<204800x128xf32, #tpu.memory_space<hbm>> -> memref<128x128xf32, #tpu.memory_space<hbm>>
        %dma_wait3A_554 = arith.constant 0 : i32
        %dma_wait3A_555 = arith.constant 0 : i32
        %dma_wait3A_556 = tpu.memref_slice %arg6[%dma_wait3A_542, %dma_wait3A_554, %dma_wait3A_555] : memref<7x128x128xf32, #tpu.memory_space<vmem>> -> memref<1x128x128xf32, #tpu.memory_space<vmem>>
        %dma_wait3A_557 = tpu.memref_squeeze %dma_wait3A_556 : memref<1x128x128xf32, #tpu.memory_space<vmem>> -> memref<128x128xf32, #tpu.memory_space<vmem>>
        tpu.wait_dma2 semaphore(%dma_wait3A_551 : memref<!tpu.dma_semaphore, #tpu.memory_space<semaphore_mem>>) src(%dma_wait3A_557 : memref<128x128xf32, #tpu.memory_space<vmem>>) dst(%dma_wait3A_553 : memref<128x128xf32, #tpu.memory_space<hbm>>)
      } else {
      }
      %ge3A_222 = arith.constant 1 : i32
      %ge3A_223 = arith.cmpi sge, %add3A_216, %ge3A_222 : i32
      %add3A_224 = arith.constant 7 : i32
      %add3A_225 = arith.addi %add3A_216, %add3A_224 : i32
      %sub3A_226 = arith.constant 1 : i32
      %sub3A_227 = arith.subi %add3A_225, %sub3A_226 : i32
      %lt3A_228 = arith.constant 50 : i32
      %lt3A_229 = arith.cmpi slt, %sub3A_227, %lt3A_228 : i32
      %and3A_230 = arith.andi %ge3A_223, %lt3A_229 : i1
      %convert_element_type3A_231 = arith.extui %and3A_230 : i1 to i32
      %cond3A_232 = arith.constant 0 : i32
      %cond3A_233 = arith.cmpi ne, %convert_element_type3A_231, %cond3A_232 : i32
      scf.if %cond3A_233 {
        %add3A_537 = arith.constant 7 : i32
        %add3A_538 = arith.addi %add3A_216, %add3A_537 : i32
        %sub3A_539 = arith.constant 1 : i32
        %sub3A_540 = arith.subi %add3A_538, %sub3A_539 : i32
        %mul3A_541 = arith.constant 128 : i32
        %mul3A_542 = arith.muli %sub3A_540, %mul3A_541 : i32
        %dma_start3A_543 = arith.constant 0 : i32
        %dma_start3A_544 = arith.constant 0 : i32
        %dma_start3A_545 = arith.constant 0 : i32
        %dma_start3A_546 = arith.constant 0 : i32
        %dma_start3A_547 = tpu.memref_slice %arg6[%dma_start3A_543, %dma_start3A_545, %dma_start3A_546] : memref<7x128x128xf32, #tpu.memory_space<vmem>> -> memref<1x128x128xf32, #tpu.memory_space<vmem>>
        %dma_start3A_548 = tpu.memref_squeeze %dma_start3A_547 : memref<1x128x128xf32, #tpu.memory_space<vmem>> -> memref<128x128xf32, #tpu.memory_space<vmem>>
        %dma_start3A_549 = tpu.memref_slice %arg5[%mul3A_542] : memref<6400xi32, #tpu.memory_space<vmem>> -> memref<128xi32, #tpu.memory_space<vmem>>
        %dma_start3A_550 = arith.constant 0 : i32
        %dma_start3A_551 = arith.constant 0 : i32
        %dma_start3A_552 = tpu.memref_slice %arg3[%dma_start3A_550, %dma_start3A_551] : memref<100000x128xf32, #tpu.memory_space<hbm>> -> memref<100000x128xf32, #tpu.memory_space<hbm>>
        %dma_start3A_553 = tpu.memref_slice %arg7[%dma_start3A_544] : memref<7x!tpu.dma_semaphore, #tpu.memory_space<semaphore_mem>> -> memref<1x!tpu.dma_semaphore, #tpu.memory_space<semaphore_mem>>
        %dma_start3A_554 = tpu.memref_squeeze %dma_start3A_553 : memref<1x!tpu.dma_semaphore, #tpu.memory_space<semaphore_mem>> -> memref<!tpu.dma_semaphore, #tpu.memory_space<semaphore_mem>>
        tpu.enqueue_indirect_dma source(%dma_start3A_552 : memref<100000x128xf32, #tpu.memory_space<hbm>>) target(%dma_start3A_548 : memref<128x128xf32, #tpu.memory_space<vmem>>) offsets(%dma_start3A_549 : memref<128xi32, #tpu.memory_space<vmem>>) semaphore(%dma_start3A_554 : memref<!tpu.dma_semaphore, #tpu.memory_space<semaphore_mem>>)
      } else {
      }
      %mul3A_234 = arith.constant 128 : i32
      %mul3A_235 = arith.muli %add3A_216, %mul3A_234 : i32
      %dma_wait3A_236 = arith.constant 1 : i32
      %dma_wait3A_237 = arith.constant 1 : i32
      %dma_wait3A_238 = arith.constant 0 : i32
      %dma_wait3A_239 = arith.constant 0 : i32
      %dma_wait3A_240 = tpu.memref_slice %arg6[%dma_wait3A_236, %dma_wait3A_238, %dma_wait3A_239] : memref<7x128x128xf32, #tpu.memory_space<vmem>> -> memref<1x128x128xf32, #tpu.memory_space<vmem>>
      %dma_wait3A_241 = tpu.memref_squeeze %dma_wait3A_240 : memref<1x128x128xf32, #tpu.memory_space<vmem>> -> memref<128x128xf32, #tpu.memory_space<vmem>>
      %dma_wait3A_242 = tpu.memref_slice %arg5[%mul3A_235] : memref<6400xi32, #tpu.memory_space<vmem>> -> memref<128xi32, #tpu.memory_space<vmem>>
      %dma_wait3A_243 = arith.constant 0 : i32
      %dma_wait3A_244 = arith.constant 0 : i32
      %dma_wait3A_245 = tpu.memref_slice %arg3[%dma_wait3A_243, %dma_wait3A_244] : memref<100000x128xf32, #tpu.memory_space<hbm>> -> memref<100000x128xf32, #tpu.memory_space<hbm>>
      %dma_wait3A_246 = tpu.memref_slice %arg7[%dma_wait3A_237] : memref<7x!tpu.dma_semaphore, #tpu.memory_space<semaphore_mem>> -> memref<1x!tpu.dma_semaphore, #tpu.memory_space<semaphore_mem>>
      %dma_wait3A_247 = tpu.memref_squeeze %dma_wait3A_246 : memref<1x!tpu.dma_semaphore, #tpu.memory_space<semaphore_mem>> -> memref<!tpu.dma_semaphore, #tpu.memory_space<semaphore_mem>>
      tpu.wait_indirect_dma semaphore(%dma_wait3A_247 : memref<!tpu.dma_semaphore, #tpu.memory_space<semaphore_mem>>) src(%dma_wait3A_245 : memref<100000x128xf32, #tpu.memory_space<hbm>>) dst(%dma_wait3A_241 : memref<128x128xf32, #tpu.memory_space<vmem>>)
      %mul3A_248 = arith.constant 128 : i32
      %mul3A_249 = arith.muli %add3A_216, %mul3A_248 : i32
      %add3A_250 = arith.addi %mul3A_2, %mul3A_249 : i32
      %dma_start3A_251 = arith.constant 1 : i32
      %dma_start3A_252 = arith.constant 1 : i32
      %dma_start3A_253 = arith.constant 0 : i32
      %dma_start3A_254 = arith.constant 0 : i32
      %dma_start3A_255 = tpu.memref_slice %arg6[%dma_start3A_251, %dma_start3A_253, %dma_start3A_254] : memref<7x128x128xf32, #tpu.memory_space<vmem>> -> memref<1x128x128xf32, #tpu.memory_space<vmem>>
      %dma_start3A_256 = tpu.memref_squeeze %dma_start3A_255 : memref<1x128x128xf32, #tpu.memory_space<vmem>> -> memref<128x128xf32, #tpu.memory_space<vmem>>
      %dma_start3A_257 = arith.constant 0 : i32
      %dma_start3A_258 = tpu.memref_slice %arg4[%add3A_250, %dma_start3A_257] : memref<204800x128xf32, #tpu.memory_space<hbm>> -> memref<128x128xf32, #tpu.memory_space<hbm>>
      %dma_start3A_259 = tpu.memref_slice %arg8[%dma_start3A_252] : memref<7x!tpu.dma_semaphore, #tpu.memory_space<semaphore_mem>> -> memref<1x!tpu.dma_semaphore, #tpu.memory_space<semaphore_mem>>
      %dma_start3A_260 = tpu.memref_squeeze %dma_start3A_259 : memref<1x!tpu.dma_semaphore, #tpu.memory_space<semaphore_mem>> -> memref<!tpu.dma_semaphore, #tpu.memory_space<semaphore_mem>>
      %dma_start3A_261 = arith.constant 0 : i32
      %dma_start3A_262 = tpu.memref_slice %arg4[%add3A_250, %dma_start3A_261] : memref<204800x128xf32, #tpu.memory_space<hbm>> -> memref<128x128xf32, #tpu.memory_space<hbm>>
      %dma_start3A_263 = arith.constant 0 : i32
      %dma_start3A_264 = arith.constant 0 : i32
      %dma_start3A_265 = tpu.memref_slice %arg6[%dma_start3A_251, %dma_start3A_263, %dma_start3A_264] : memref<7x128x128xf32, #tpu.memory_space<vmem>> -> memref<1x128x128xf32, #tpu.memory_space<vmem>>
      %dma_start3A_266 = tpu.memref_squeeze %dma_start3A_265 : memref<1x128x128xf32, #tpu.memory_space<vmem>> -> memref<128x128xf32, #tpu.memory_space<vmem>>
      tpu.enqueue_dma source(%dma_start3A_266 : memref<128x128xf32, #tpu.memory_space<vmem>>) target(%dma_start3A_262 : memref<128x128xf32, #tpu.memory_space<hbm>>) target_semaphore(%dma_start3A_260 : memref<!tpu.dma_semaphore, #tpu.memory_space<semaphore_mem>>)
      %mul3A_267 = arith.constant 7 : i32
      %mul3A_268 = arith.muli %scan3A_164, %mul3A_267 : i32
      %add3A_269 = arith.constant 2 : i32
      %add3A_270 = arith.addi %mul3A_268, %add3A_269 : i32
      %ge3A_271 = arith.constant 1 : i32
      %ge3A_272 = arith.cmpi sge, %add3A_270, %ge3A_271 : i32
      %convert_element_type3A_273 = arith.extui %ge3A_272 : i1 to i32
      %cond3A_274 = arith.constant 0 : i32
      %cond3A_275 = arith.cmpi ne, %convert_element_type3A_273, %cond3A_274 : i32
      scf.if %cond3A_275 {
        %sub3A_537 = arith.constant 1 : i32
        %sub3A_538 = arith.subi %add3A_270, %sub3A_537 : i32
        %mul3A_539 = arith.constant 128 : i32
        %mul3A_540 = arith.muli %sub3A_538, %mul3A_539 : i32
        %add3A_541 = arith.addi %mul3A_2, %mul3A_540 : i32
        %dma_wait3A_542 = arith.constant 1 : i32
        %dma_wait3A_543 = arith.constant 1 : i32
        %dma_wait3A_544 = arith.constant 0 : i32
        %dma_wait3A_545 = arith.constant 0 : i32
        %dma_wait3A_546 = tpu.memref_slice %arg6[%dma_wait3A_542, %dma_wait3A_544, %dma_wait3A_545] : memref<7x128x128xf32, #tpu.memory_space<vmem>> -> memref<1x128x128xf32, #tpu.memory_space<vmem>>
        %dma_wait3A_547 = tpu.memref_squeeze %dma_wait3A_546 : memref<1x128x128xf32, #tpu.memory_space<vmem>> -> memref<128x128xf32, #tpu.memory_space<vmem>>
        %dma_wait3A_548 = arith.constant 0 : i32
        %dma_wait3A_549 = tpu.memref_slice %arg4[%add3A_541, %dma_wait3A_548] : memref<204800x128xf32, #tpu.memory_space<hbm>> -> memref<128x128xf32, #tpu.memory_space<hbm>>
        %dma_wait3A_550 = tpu.memref_slice %arg8[%dma_wait3A_543] : memref<7x!tpu.dma_semaphore, #tpu.memory_space<semaphore_mem>> -> memref<1x!tpu.dma_semaphore, #tpu.memory_space<semaphore_mem>>
        %dma_wait3A_551 = tpu.memref_squeeze %dma_wait3A_550 : memref<1x!tpu.dma_semaphore, #tpu.memory_space<semaphore_mem>> -> memref<!tpu.dma_semaphore, #tpu.memory_space<semaphore_mem>>
        %dma_wait3A_552 = arith.constant 0 : i32
        %dma_wait3A_553 = tpu.memref_slice %arg4[%add3A_541, %dma_wait3A_552] : memref<204800x128xf32, #tpu.memory_space<hbm>> -> memref<128x128xf32, #tpu.memory_space<hbm>>
        %dma_wait3A_554 = arith.constant 0 : i32
        %dma_wait3A_555 = arith.constant 0 : i32
        %dma_wait3A_556 = tpu.memref_slice %arg6[%dma_wait3A_542, %dma_wait3A_554, %dma_wait3A_555] : memref<7x128x128xf32, #tpu.memory_space<vmem>> -> memref<1x128x128xf32, #tpu.memory_space<vmem>>
        %dma_wait3A_557 = tpu.memref_squeeze %dma_wait3A_556 : memref<1x128x128xf32, #tpu.memory_space<vmem>> -> memref<128x128xf32, #tpu.memory_space<vmem>>
        tpu.wait_dma2 semaphore(%dma_wait3A_551 : memref<!tpu.dma_semaphore, #tpu.memory_space<semaphore_mem>>) src(%dma_wait3A_557 : memref<128x128xf32, #tpu.memory_space<vmem>>) dst(%dma_wait3A_553 : memref<128x128xf32, #tpu.memory_space<hbm>>)
      } else {
      }
      %ge3A_276 = arith.constant 1 : i32
      %ge3A_277 = arith.cmpi sge, %add3A_270, %ge3A_276 : i32
      %add3A_278 = arith.constant 7 : i32
      %add3A_279 = arith.addi %add3A_270, %add3A_278 : i32
      %sub3A_280 = arith.constant 1 : i32
      %sub3A_281 = arith.subi %add3A_279, %sub3A_280 : i32
      %lt3A_282 = arith.constant 50 : i32
      %lt3A_283 = arith.cmpi slt, %sub3A_281, %lt3A_282 : i32
      %and3A_284 = arith.andi %ge3A_277, %lt3A_283 : i1
      %convert_element_type3A_285 = arith.extui %and3A_284 : i1 to i32
      %cond3A_286 = arith.constant 0 : i32
      %cond3A_287 = arith.cmpi ne, %convert_element_type3A_285, %cond3A_286 : i32
      scf.if %cond3A_287 {
        %add3A_537 = arith.constant 7 : i32
        %add3A_538 = arith.addi %add3A_270, %add3A_537 : i32
        %sub3A_539 = arith.constant 1 : i32
        %sub3A_540 = arith.subi %add3A_538, %sub3A_539 : i32
        %mul3A_541 = arith.constant 128 : i32
        %mul3A_542 = arith.muli %sub3A_540, %mul3A_541 : i32
        %dma_start3A_543 = arith.constant 1 : i32
        %dma_start3A_544 = arith.constant 1 : i32
        %dma_start3A_545 = arith.constant 0 : i32
        %dma_start3A_546 = arith.constant 0 : i32
        %dma_start3A_547 = tpu.memref_slice %arg6[%dma_start3A_543, %dma_start3A_545, %dma_start3A_546] : memref<7x128x128xf32, #tpu.memory_space<vmem>> -> memref<1x128x128xf32, #tpu.memory_space<vmem>>
        %dma_start3A_548 = tpu.memref_squeeze %dma_start3A_547 : memref<1x128x128xf32, #tpu.memory_space<vmem>> -> memref<128x128xf32, #tpu.memory_space<vmem>>
        %dma_start3A_549 = tpu.memref_slice %arg5[%mul3A_542] : memref<6400xi32, #tpu.memory_space<vmem>> -> memref<128xi32, #tpu.memory_space<vmem>>
        %dma_start3A_550 = arith.constant 0 : i32
        %dma_start3A_551 = arith.constant 0 : i32
        %dma_start3A_552 = tpu.memref_slice %arg3[%dma_start3A_550, %dma_start3A_551] : memref<100000x128xf32, #tpu.memory_space<hbm>> -> memref<100000x128xf32, #tpu.memory_space<hbm>>
        %dma_start3A_553 = tpu.memref_slice %arg7[%dma_start3A_544] : memref<7x!tpu.dma_semaphore, #tpu.memory_space<semaphore_mem>> -> memref<1x!tpu.dma_semaphore, #tpu.memory_space<semaphore_mem>>
        %dma_start3A_554 = tpu.memref_squeeze %dma_start3A_553 : memref<1x!tpu.dma_semaphore, #tpu.memory_space<semaphore_mem>> -> memref<!tpu.dma_semaphore, #tpu.memory_space<semaphore_mem>>
        tpu.enqueue_indirect_dma source(%dma_start3A_552 : memref<100000x128xf32, #tpu.memory_space<hbm>>) target(%dma_start3A_548 : memref<128x128xf32, #tpu.memory_space<vmem>>) offsets(%dma_start3A_549 : memref<128xi32, #tpu.memory_space<vmem>>) semaphore(%dma_start3A_554 : memref<!tpu.dma_semaphore, #tpu.memory_space<semaphore_mem>>)
      } else {
      }
      %mul3A_288 = arith.constant 128 : i32
      %mul3A_289 = arith.muli %add3A_270, %mul3A_288 : i32
      %dma_wait3A_290 = arith.constant 2 : i32
      %dma_wait3A_291 = arith.constant 2 : i32
      %dma_wait3A_292 = arith.constant 0 : i32
      %dma_wait3A_293 = arith.constant 0 : i32
      %dma_wait3A_294 = tpu.memref_slice %arg6[%dma_wait3A_290, %dma_wait3A_292, %dma_wait3A_293] : memref<7x128x128xf32, #tpu.memory_space<vmem>> -> memref<1x128x128xf32, #tpu.memory_space<vmem>>
      %dma_wait3A_295 = tpu.memref_squeeze %dma_wait3A_294 : memref<1x128x128xf32, #tpu.memory_space<vmem>> -> memref<128x128xf32, #tpu.memory_space<vmem>>
      %dma_wait3A_296 = tpu.memref_slice %arg5[%mul3A_289] : memref<6400xi32, #tpu.memory_space<vmem>> -> memref<128xi32, #tpu.memory_space<vmem>>
      %dma_wait3A_297 = arith.constant 0 : i32
      %dma_wait3A_298 = arith.constant 0 : i32
      %dma_wait3A_299 = tpu.memref_slice %arg3[%dma_wait3A_297, %dma_wait3A_298] : memref<100000x128xf32, #tpu.memory_space<hbm>> -> memref<100000x128xf32, #tpu.memory_space<hbm>>
      %dma_wait3A_300 = tpu.memref_slice %arg7[%dma_wait3A_291] : memref<7x!tpu.dma_semaphore, #tpu.memory_space<semaphore_mem>> -> memref<1x!tpu.dma_semaphore, #tpu.memory_space<semaphore_mem>>
      %dma_wait3A_301 = tpu.memref_squeeze %dma_wait3A_300 : memref<1x!tpu.dma_semaphore, #tpu.memory_space<semaphore_mem>> -> memref<!tpu.dma_semaphore, #tpu.memory_space<semaphore_mem>>
      tpu.wait_indirect_dma semaphore(%dma_wait3A_301 : memref<!tpu.dma_semaphore, #tpu.memory_space<semaphore_mem>>) src(%dma_wait3A_299 : memref<100000x128xf32, #tpu.memory_space<hbm>>) dst(%dma_wait3A_295 : memref<128x128xf32, #tpu.memory_space<vmem>>)
      %mul3A_302 = arith.constant 128 : i32
      %mul3A_303 = arith.muli %add3A_270, %mul3A_302 : i32
      %add3A_304 = arith.addi %mul3A_2, %mul3A_303 : i32
      %dma_start3A_305 = arith.constant 2 : i32
      %dma_start3A_306 = arith.constant 2 : i32
      %dma_start3A_307 = arith.constant 0 : i32
      %dma_start3A_308 = arith.constant 0 : i32
      %dma_start3A_309 = tpu.memref_slice %arg6[%dma_start3A_305, %dma_start3A_307, %dma_start3A_308] : memref<7x128x128xf32, #tpu.memory_space<vmem>> -> memref<1x128x128xf32, #tpu.memory_space<vmem>>
      %dma_start3A_310 = tpu.memref_squeeze %dma_start3A_309 : memref<1x128x128xf32, #tpu.memory_space<vmem>> -> memref<128x128xf32, #tpu.memory_space<vmem>>
      %dma_start3A_311 = arith.constant 0 : i32
      %dma_start3A_312 = tpu.memref_slice %arg4[%add3A_304, %dma_start3A_311] : memref<204800x128xf32, #tpu.memory_space<hbm>> -> memref<128x128xf32, #tpu.memory_space<hbm>>
      %dma_start3A_313 = tpu.memref_slice %arg8[%dma_start3A_306] : memref<7x!tpu.dma_semaphore, #tpu.memory_space<semaphore_mem>> -> memref<1x!tpu.dma_semaphore, #tpu.memory_space<semaphore_mem>>
      %dma_start3A_314 = tpu.memref_squeeze %dma_start3A_313 : memref<1x!tpu.dma_semaphore, #tpu.memory_space<semaphore_mem>> -> memref<!tpu.dma_semaphore, #tpu.memory_space<semaphore_mem>>
      %dma_start3A_315 = arith.constant 0 : i32
      %dma_start3A_316 = tpu.memref_slice %arg4[%add3A_304, %dma_start3A_315] : memref<204800x128xf32, #tpu.memory_space<hbm>> -> memref<128x128xf32, #tpu.memory_space<hbm>>
      %dma_start3A_317 = arith.constant 0 : i32
      %dma_start3A_318 = arith.constant 0 : i32
      %dma_start3A_319 = tpu.memref_slice %arg6[%dma_start3A_305, %dma_start3A_317, %dma_start3A_318] : memref<7x128x128xf32, #tpu.memory_space<vmem>> -> memref<1x128x128xf32, #tpu.memory_space<vmem>>
      %dma_start3A_320 = tpu.memref_squeeze %dma_start3A_319 : memref<1x128x128xf32, #tpu.memory_space<vmem>> -> memref<128x128xf32, #tpu.memory_space<vmem>>
      tpu.enqueue_dma source(%dma_start3A_320 : memref<128x128xf32, #tpu.memory_space<vmem>>) target(%dma_start3A_316 : memref<128x128xf32, #tpu.memory_space<hbm>>) target_semaphore(%dma_start3A_314 : memref<!tpu.dma_semaphore, #tpu.memory_space<semaphore_mem>>)
      %mul3A_321 = arith.constant 7 : i32
      %mul3A_322 = arith.muli %scan3A_164, %mul3A_321 : i32
      %add3A_323 = arith.constant 3 : i32
      %add3A_324 = arith.addi %mul3A_322, %add3A_323 : i32
      %ge3A_325 = arith.constant 1 : i32
      %ge3A_326 = arith.cmpi sge, %add3A_324, %ge3A_325 : i32
      %convert_element_type3A_327 = arith.extui %ge3A_326 : i1 to i32
      %cond3A_328 = arith.constant 0 : i32
      %cond3A_329 = arith.cmpi ne, %convert_element_type3A_327, %cond3A_328 : i32
      scf.if %cond3A_329 {
        %sub3A_537 = arith.constant 1 : i32
        %sub3A_538 = arith.subi %add3A_324, %sub3A_537 : i32
        %mul3A_539 = arith.constant 128 : i32
        %mul3A_540 = arith.muli %sub3A_538, %mul3A_539 : i32
        %add3A_541 = arith.addi %mul3A_2, %mul3A_540 : i32
        %dma_wait3A_542 = arith.constant 2 : i32
        %dma_wait3A_543 = arith.constant 2 : i32
        %dma_wait3A_544 = arith.constant 0 : i32
        %dma_wait3A_545 = arith.constant 0 : i32
        %dma_wait3A_546 = tpu.memref_slice %arg6[%dma_wait3A_542, %dma_wait3A_544, %dma_wait3A_545] : memref<7x128x128xf32, #tpu.memory_space<vmem>> -> memref<1x128x128xf32, #tpu.memory_space<vmem>>
        %dma_wait3A_547 = tpu.memref_squeeze %dma_wait3A_546 : memref<1x128x128xf32, #tpu.memory_space<vmem>> -> memref<128x128xf32, #tpu.memory_space<vmem>>
        %dma_wait3A_548 = arith.constant 0 : i32
        %dma_wait3A_549 = tpu.memref_slice %arg4[%add3A_541, %dma_wait3A_548] : memref<204800x128xf32, #tpu.memory_space<hbm>> -> memref<128x128xf32, #tpu.memory_space<hbm>>
        %dma_wait3A_550 = tpu.memref_slice %arg8[%dma_wait3A_543] : memref<7x!tpu.dma_semaphore, #tpu.memory_space<semaphore_mem>> -> memref<1x!tpu.dma_semaphore, #tpu.memory_space<semaphore_mem>>
        %dma_wait3A_551 = tpu.memref_squeeze %dma_wait3A_550 : memref<1x!tpu.dma_semaphore, #tpu.memory_space<semaphore_mem>> -> memref<!tpu.dma_semaphore, #tpu.memory_space<semaphore_mem>>
        %dma_wait3A_552 = arith.constant 0 : i32
        %dma_wait3A_553 = tpu.memref_slice %arg4[%add3A_541, %dma_wait3A_552] : memref<204800x128xf32, #tpu.memory_space<hbm>> -> memref<128x128xf32, #tpu.memory_space<hbm>>
        %dma_wait3A_554 = arith.constant 0 : i32
        %dma_wait3A_555 = arith.constant 0 : i32
        %dma_wait3A_556 = tpu.memref_slice %arg6[%dma_wait3A_542, %dma_wait3A_554, %dma_wait3A_555] : memref<7x128x128xf32, #tpu.memory_space<vmem>> -> memref<1x128x128xf32, #tpu.memory_space<vmem>>
        %dma_wait3A_557 = tpu.memref_squeeze %dma_wait3A_556 : memref<1x128x128xf32, #tpu.memory_space<vmem>> -> memref<128x128xf32, #tpu.memory_space<vmem>>
        tpu.wait_dma2 semaphore(%dma_wait3A_551 : memref<!tpu.dma_semaphore, #tpu.memory_space<semaphore_mem>>) src(%dma_wait3A_557 : memref<128x128xf32, #tpu.memory_space<vmem>>) dst(%dma_wait3A_553 : memref<128x128xf32, #tpu.memory_space<hbm>>)
      } else {
      }
      %ge3A_330 = arith.constant 1 : i32
      %ge3A_331 = arith.cmpi sge, %add3A_324, %ge3A_330 : i32
      %add3A_332 = arith.constant 7 : i32
      %add3A_333 = arith.addi %add3A_324, %add3A_332 : i32
      %sub3A_334 = arith.constant 1 : i32
      %sub3A_335 = arith.subi %add3A_333, %sub3A_334 : i32
      %lt3A_336 = arith.constant 50 : i32
      %lt3A_337 = arith.cmpi slt, %sub3A_335, %lt3A_336 : i32
      %and3A_338 = arith.andi %ge3A_331, %lt3A_337 : i1
      %convert_element_type3A_339 = arith.extui %and3A_338 : i1 to i32
      %cond3A_340 = arith.constant 0 : i32
      %cond3A_341 = arith.cmpi ne, %convert_element_type3A_339, %cond3A_340 : i32
      scf.if %cond3A_341 {
        %add3A_537 = arith.constant 7 : i32
        %add3A_538 = arith.addi %add3A_324, %add3A_537 : i32
        %sub3A_539 = arith.constant 1 : i32
        %sub3A_540 = arith.subi %add3A_538, %sub3A_539 : i32
        %mul3A_541 = arith.constant 128 : i32
        %mul3A_542 = arith.muli %sub3A_540, %mul3A_541 : i32
        %dma_start3A_543 = arith.constant 2 : i32
        %dma_start3A_544 = arith.constant 2 : i32
        %dma_start3A_545 = arith.constant 0 : i32
        %dma_start3A_546 = arith.constant 0 : i32
        %dma_start3A_547 = tpu.memref_slice %arg6[%dma_start3A_543, %dma_start3A_545, %dma_start3A_546] : memref<7x128x128xf32, #tpu.memory_space<vmem>> -> memref<1x128x128xf32, #tpu.memory_space<vmem>>
        %dma_start3A_548 = tpu.memref_squeeze %dma_start3A_547 : memref<1x128x128xf32, #tpu.memory_space<vmem>> -> memref<128x128xf32, #tpu.memory_space<vmem>>
        %dma_start3A_549 = tpu.memref_slice %arg5[%mul3A_542] : memref<6400xi32, #tpu.memory_space<vmem>> -> memref<128xi32, #tpu.memory_space<vmem>>
        %dma_start3A_550 = arith.constant 0 : i32
        %dma_start3A_551 = arith.constant 0 : i32
        %dma_start3A_552 = tpu.memref_slice %arg3[%dma_start3A_550, %dma_start3A_551] : memref<100000x128xf32, #tpu.memory_space<hbm>> -> memref<100000x128xf32, #tpu.memory_space<hbm>>
        %dma_start3A_553 = tpu.memref_slice %arg7[%dma_start3A_544] : memref<7x!tpu.dma_semaphore, #tpu.memory_space<semaphore_mem>> -> memref<1x!tpu.dma_semaphore, #tpu.memory_space<semaphore_mem>>
        %dma_start3A_554 = tpu.memref_squeeze %dma_start3A_553 : memref<1x!tpu.dma_semaphore, #tpu.memory_space<semaphore_mem>> -> memref<!tpu.dma_semaphore, #tpu.memory_space<semaphore_mem>>
        tpu.enqueue_indirect_dma source(%dma_start3A_552 : memref<100000x128xf32, #tpu.memory_space<hbm>>) target(%dma_start3A_548 : memref<128x128xf32, #tpu.memory_space<vmem>>) offsets(%dma_start3A_549 : memref<128xi32, #tpu.memory_space<vmem>>) semaphore(%dma_start3A_554 : memref<!tpu.dma_semaphore, #tpu.memory_space<semaphore_mem>>)
      } else {
      }
      %mul3A_342 = arith.constant 128 : i32
      %mul3A_343 = arith.muli %add3A_324, %mul3A_342 : i32
      %dma_wait3A_344 = arith.constant 3 : i32
      %dma_wait3A_345 = arith.constant 3 : i32
      %dma_wait3A_346 = arith.constant 0 : i32
      %dma_wait3A_347 = arith.constant 0 : i32
      %dma_wait3A_348 = tpu.memref_slice %arg6[%dma_wait3A_344, %dma_wait3A_346, %dma_wait3A_347] : memref<7x128x128xf32, #tpu.memory_space<vmem>> -> memref<1x128x128xf32, #tpu.memory_space<vmem>>
      %dma_wait3A_349 = tpu.memref_squeeze %dma_wait3A_348 : memref<1x128x128xf32, #tpu.memory_space<vmem>> -> memref<128x128xf32, #tpu.memory_space<vmem>>
      %dma_wait3A_350 = tpu.memref_slice %arg5[%mul3A_343] : memref<6400xi32, #tpu.memory_space<vmem>> -> memref<128xi32, #tpu.memory_space<vmem>>
      %dma_wait3A_351 = arith.constant 0 : i32
      %dma_wait3A_352 = arith.constant 0 : i32
      %dma_wait3A_353 = tpu.memref_slice %arg3[%dma_wait3A_351, %dma_wait3A_352] : memref<100000x128xf32, #tpu.memory_space<hbm>> -> memref<100000x128xf32, #tpu.memory_space<hbm>>
      %dma_wait3A_354 = tpu.memref_slice %arg7[%dma_wait3A_345] : memref<7x!tpu.dma_semaphore, #tpu.memory_space<semaphore_mem>> -> memref<1x!tpu.dma_semaphore, #tpu.memory_space<semaphore_mem>>
      %dma_wait3A_355 = tpu.memref_squeeze %dma_wait3A_354 : memref<1x!tpu.dma_semaphore, #tpu.memory_space<semaphore_mem>> -> memref<!tpu.dma_semaphore, #tpu.memory_space<semaphore_mem>>
      tpu.wait_indirect_dma semaphore(%dma_wait3A_355 : memref<!tpu.dma_semaphore, #tpu.memory_space<semaphore_mem>>) src(%dma_wait3A_353 : memref<100000x128xf32, #tpu.memory_space<hbm>>) dst(%dma_wait3A_349 : memref<128x128xf32, #tpu.memory_space<vmem>>)
      %mul3A_356 = arith.constant 128 : i32
      %mul3A_357 = arith.muli %add3A_324, %mul3A_356 : i32
      %add3A_358 = arith.addi %mul3A_2, %mul3A_357 : i32
      %dma_start3A_359 = arith.constant 3 : i32
      %dma_start3A_360 = arith.constant 3 : i32
      %dma_start3A_361 = arith.constant 0 : i32
      %dma_start3A_362 = arith.constant 0 : i32
      %dma_start3A_363 = tpu.memref_slice %arg6[%dma_start3A_359, %dma_start3A_361, %dma_start3A_362] : memref<7x128x128xf32, #tpu.memory_space<vmem>> -> memref<1x128x128xf32, #tpu.memory_space<vmem>>
      %dma_start3A_364 = tpu.memref_squeeze %dma_start3A_363 : memref<1x128x128xf32, #tpu.memory_space<vmem>> -> memref<128x128xf32, #tpu.memory_space<vmem>>
      %dma_start3A_365 = arith.constant 0 : i32
      %dma_start3A_366 = tpu.memref_slice %arg4[%add3A_358, %dma_start3A_365] : memref<204800x128xf32, #tpu.memory_space<hbm>> -> memref<128x128xf32, #tpu.memory_space<hbm>>
      %dma_start3A_367 = tpu.memref_slice %arg8[%dma_start3A_360] : memref<7x!tpu.dma_semaphore, #tpu.memory_space<semaphore_mem>> -> memref<1x!tpu.dma_semaphore, #tpu.memory_space<semaphore_mem>>
      %dma_start3A_368 = tpu.memref_squeeze %dma_start3A_367 : memref<1x!tpu.dma_semaphore, #tpu.memory_space<semaphore_mem>> -> memref<!tpu.dma_semaphore, #tpu.memory_space<semaphore_mem>>
      %dma_start3A_369 = arith.constant 0 : i32
      %dma_start3A_370 = tpu.memref_slice %arg4[%add3A_358, %dma_start3A_369] : memref<204800x128xf32, #tpu.memory_space<hbm>> -> memref<128x128xf32, #tpu.memory_space<hbm>>
      %dma_start3A_371 = arith.constant 0 : i32
      %dma_start3A_372 = arith.constant 0 : i32
      %dma_start3A_373 = tpu.memref_slice %arg6[%dma_start3A_359, %dma_start3A_371, %dma_start3A_372] : memref<7x128x128xf32, #tpu.memory_space<vmem>> -> memref<1x128x128xf32, #tpu.memory_space<vmem>>
      %dma_start3A_374 = tpu.memref_squeeze %dma_start3A_373 : memref<1x128x128xf32, #tpu.memory_space<vmem>> -> memref<128x128xf32, #tpu.memory_space<vmem>>
      tpu.enqueue_dma source(%dma_start3A_374 : memref<128x128xf32, #tpu.memory_space<vmem>>) target(%dma_start3A_370 : memref<128x128xf32, #tpu.memory_space<hbm>>) target_semaphore(%dma_start3A_368 : memref<!tpu.dma_semaphore, #tpu.memory_space<semaphore_mem>>)
      %mul3A_375 = arith.constant 7 : i32
      %mul3A_376 = arith.muli %scan3A_164, %mul3A_375 : i32
      %add3A_377 = arith.constant 4 : i32
      %add3A_378 = arith.addi %mul3A_376, %add3A_377 : i32
      %ge3A_379 = arith.constant 1 : i32
      %ge3A_380 = arith.cmpi sge, %add3A_378, %ge3A_379 : i32
      %convert_element_type3A_381 = arith.extui %ge3A_380 : i1 to i32
      %cond3A_382 = arith.constant 0 : i32
      %cond3A_383 = arith.cmpi ne, %convert_element_type3A_381, %cond3A_382 : i32
      scf.if %cond3A_383 {
        %sub3A_537 = arith.constant 1 : i32
        %sub3A_538 = arith.subi %add3A_378, %sub3A_537 : i32
        %mul3A_539 = arith.constant 128 : i32
        %mul3A_540 = arith.muli %sub3A_538, %mul3A_539 : i32
        %add3A_541 = arith.addi %mul3A_2, %mul3A_540 : i32
        %dma_wait3A_542 = arith.constant 3 : i32
        %dma_wait3A_543 = arith.constant 3 : i32
        %dma_wait3A_544 = arith.constant 0 : i32
        %dma_wait3A_545 = arith.constant 0 : i32
        %dma_wait3A_546 = tpu.memref_slice %arg6[%dma_wait3A_542, %dma_wait3A_544, %dma_wait3A_545] : memref<7x128x128xf32, #tpu.memory_space<vmem>> -> memref<1x128x128xf32, #tpu.memory_space<vmem>>
        %dma_wait3A_547 = tpu.memref_squeeze %dma_wait3A_546 : memref<1x128x128xf32, #tpu.memory_space<vmem>> -> memref<128x128xf32, #tpu.memory_space<vmem>>
        %dma_wait3A_548 = arith.constant 0 : i32
        %dma_wait3A_549 = tpu.memref_slice %arg4[%add3A_541, %dma_wait3A_548] : memref<204800x128xf32, #tpu.memory_space<hbm>> -> memref<128x128xf32, #tpu.memory_space<hbm>>
        %dma_wait3A_550 = tpu.memref_slice %arg8[%dma_wait3A_543] : memref<7x!tpu.dma_semaphore, #tpu.memory_space<semaphore_mem>> -> memref<1x!tpu.dma_semaphore, #tpu.memory_space<semaphore_mem>>
        %dma_wait3A_551 = tpu.memref_squeeze %dma_wait3A_550 : memref<1x!tpu.dma_semaphore, #tpu.memory_space<semaphore_mem>> -> memref<!tpu.dma_semaphore, #tpu.memory_space<semaphore_mem>>
        %dma_wait3A_552 = arith.constant 0 : i32
        %dma_wait3A_553 = tpu.memref_slice %arg4[%add3A_541, %dma_wait3A_552] : memref<204800x128xf32, #tpu.memory_space<hbm>> -> memref<128x128xf32, #tpu.memory_space<hbm>>
        %dma_wait3A_554 = arith.constant 0 : i32
        %dma_wait3A_555 = arith.constant 0 : i32
        %dma_wait3A_556 = tpu.memref_slice %arg6[%dma_wait3A_542, %dma_wait3A_554, %dma_wait3A_555] : memref<7x128x128xf32, #tpu.memory_space<vmem>> -> memref<1x128x128xf32, #tpu.memory_space<vmem>>
        %dma_wait3A_557 = tpu.memref_squeeze %dma_wait3A_556 : memref<1x128x128xf32, #tpu.memory_space<vmem>> -> memref<128x128xf32, #tpu.memory_space<vmem>>
        tpu.wait_dma2 semaphore(%dma_wait3A_551 : memref<!tpu.dma_semaphore, #tpu.memory_space<semaphore_mem>>) src(%dma_wait3A_557 : memref<128x128xf32, #tpu.memory_space<vmem>>) dst(%dma_wait3A_553 : memref<128x128xf32, #tpu.memory_space<hbm>>)
      } else {
      }
      %ge3A_384 = arith.constant 1 : i32
      %ge3A_385 = arith.cmpi sge, %add3A_378, %ge3A_384 : i32
      %add3A_386 = arith.constant 7 : i32
      %add3A_387 = arith.addi %add3A_378, %add3A_386 : i32
      %sub3A_388 = arith.constant 1 : i32
      %sub3A_389 = arith.subi %add3A_387, %sub3A_388 : i32
      %lt3A_390 = arith.constant 50 : i32
      %lt3A_391 = arith.cmpi slt, %sub3A_389, %lt3A_390 : i32
      %and3A_392 = arith.andi %ge3A_385, %lt3A_391 : i1
      %convert_element_type3A_393 = arith.extui %and3A_392 : i1 to i32
      %cond3A_394 = arith.constant 0 : i32
      %cond3A_395 = arith.cmpi ne, %convert_element_type3A_393, %cond3A_394 : i32
      scf.if %cond3A_395 {
        %add3A_537 = arith.constant 7 : i32
        %add3A_538 = arith.addi %add3A_378, %add3A_537 : i32
        %sub3A_539 = arith.constant 1 : i32
        %sub3A_540 = arith.subi %add3A_538, %sub3A_539 : i32
        %mul3A_541 = arith.constant 128 : i32
        %mul3A_542 = arith.muli %sub3A_540, %mul3A_541 : i32
        %dma_start3A_543 = arith.constant 3 : i32
        %dma_start3A_544 = arith.constant 3 : i32
        %dma_start3A_545 = arith.constant 0 : i32
        %dma_start3A_546 = arith.constant 0 : i32
        %dma_start3A_547 = tpu.memref_slice %arg6[%dma_start3A_543, %dma_start3A_545, %dma_start3A_546] : memref<7x128x128xf32, #tpu.memory_space<vmem>> -> memref<1x128x128xf32, #tpu.memory_space<vmem>>
        %dma_start3A_548 = tpu.memref_squeeze %dma_start3A_547 : memref<1x128x128xf32, #tpu.memory_space<vmem>> -> memref<128x128xf32, #tpu.memory_space<vmem>>
        %dma_start3A_549 = tpu.memref_slice %arg5[%mul3A_542] : memref<6400xi32, #tpu.memory_space<vmem>> -> memref<128xi32, #tpu.memory_space<vmem>>
        %dma_start3A_550 = arith.constant 0 : i32
        %dma_start3A_551 = arith.constant 0 : i32
        %dma_start3A_552 = tpu.memref_slice %arg3[%dma_start3A_550, %dma_start3A_551] : memref<100000x128xf32, #tpu.memory_space<hbm>> -> memref<100000x128xf32, #tpu.memory_space<hbm>>
        %dma_start3A_553 = tpu.memref_slice %arg7[%dma_start3A_544] : memref<7x!tpu.dma_semaphore, #tpu.memory_space<semaphore_mem>> -> memref<1x!tpu.dma_semaphore, #tpu.memory_space<semaphore_mem>>
        %dma_start3A_554 = tpu.memref_squeeze %dma_start3A_553 : memref<1x!tpu.dma_semaphore, #tpu.memory_space<semaphore_mem>> -> memref<!tpu.dma_semaphore, #tpu.memory_space<semaphore_mem>>
        tpu.enqueue_indirect_dma source(%dma_start3A_552 : memref<100000x128xf32, #tpu.memory_space<hbm>>) target(%dma_start3A_548 : memref<128x128xf32, #tpu.memory_space<vmem>>) offsets(%dma_start3A_549 : memref<128xi32, #tpu.memory_space<vmem>>) semaphore(%dma_start3A_554 : memref<!tpu.dma_semaphore, #tpu.memory_space<semaphore_mem>>)
      } else {
      }
      %mul3A_396 = arith.constant 128 : i32
      %mul3A_397 = arith.muli %add3A_378, %mul3A_396 : i32
      %dma_wait3A_398 = arith.constant 4 : i32
      %dma_wait3A_399 = arith.constant 4 : i32
      %dma_wait3A_400 = arith.constant 0 : i32
      %dma_wait3A_401 = arith.constant 0 : i32
      %dma_wait3A_402 = tpu.memref_slice %arg6[%dma_wait3A_398, %dma_wait3A_400, %dma_wait3A_401] : memref<7x128x128xf32, #tpu.memory_space<vmem>> -> memref<1x128x128xf32, #tpu.memory_space<vmem>>
      %dma_wait3A_403 = tpu.memref_squeeze %dma_wait3A_402 : memref<1x128x128xf32, #tpu.memory_space<vmem>> -> memref<128x128xf32, #tpu.memory_space<vmem>>
      %dma_wait3A_404 = tpu.memref_slice %arg5[%mul3A_397] : memref<6400xi32, #tpu.memory_space<vmem>> -> memref<128xi32, #tpu.memory_space<vmem>>
      %dma_wait3A_405 = arith.constant 0 : i32
      %dma_wait3A_406 = arith.constant 0 : i32
      %dma_wait3A_407 = tpu.memref_slice %arg3[%dma_wait3A_405, %dma_wait3A_406] : memref<100000x128xf32, #tpu.memory_space<hbm>> -> memref<100000x128xf32, #tpu.memory_space<hbm>>
      %dma_wait3A_408 = tpu.memref_slice %arg7[%dma_wait3A_399] : memref<7x!tpu.dma_semaphore, #tpu.memory_space<semaphore_mem>> -> memref<1x!tpu.dma_semaphore, #tpu.memory_space<semaphore_mem>>
      %dma_wait3A_409 = tpu.memref_squeeze %dma_wait3A_408 : memref<1x!tpu.dma_semaphore, #tpu.memory_space<semaphore_mem>> -> memref<!tpu.dma_semaphore, #tpu.memory_space<semaphore_mem>>
      tpu.wait_indirect_dma semaphore(%dma_wait3A_409 : memref<!tpu.dma_semaphore, #tpu.memory_space<semaphore_mem>>) src(%dma_wait3A_407 : memref<100000x128xf32, #tpu.memory_space<hbm>>) dst(%dma_wait3A_403 : memref<128x128xf32, #tpu.memory_space<vmem>>)
      %mul3A_410 = arith.constant 128 : i32
      %mul3A_411 = arith.muli %add3A_378, %mul3A_410 : i32
      %add3A_412 = arith.addi %mul3A_2, %mul3A_411 : i32
      %dma_start3A_413 = arith.constant 4 : i32
      %dma_start3A_414 = arith.constant 4 : i32
      %dma_start3A_415 = arith.constant 0 : i32
      %dma_start3A_416 = arith.constant 0 : i32
      %dma_start3A_417 = tpu.memref_slice %arg6[%dma_start3A_413, %dma_start3A_415, %dma_start3A_416] : memref<7x128x128xf32, #tpu.memory_space<vmem>> -> memref<1x128x128xf32, #tpu.memory_space<vmem>>
      %dma_start3A_418 = tpu.memref_squeeze %dma_start3A_417 : memref<1x128x128xf32, #tpu.memory_space<vmem>> -> memref<128x128xf32, #tpu.memory_space<vmem>>
      %dma_start3A_419 = arith.constant 0 : i32
      %dma_start3A_420 = tpu.memref_slice %arg4[%add3A_412, %dma_start3A_419] : memref<204800x128xf32, #tpu.memory_space<hbm>> -> memref<128x128xf32, #tpu.memory_space<hbm>>
      %dma_start3A_421 = tpu.memref_slice %arg8[%dma_start3A_414] : memref<7x!tpu.dma_semaphore, #tpu.memory_space<semaphore_mem>> -> memref<1x!tpu.dma_semaphore, #tpu.memory_space<semaphore_mem>>
      %dma_start3A_422 = tpu.memref_squeeze %dma_start3A_421 : memref<1x!tpu.dma_semaphore, #tpu.memory_space<semaphore_mem>> -> memref<!tpu.dma_semaphore, #tpu.memory_space<semaphore_mem>>
      %dma_start3A_423 = arith.constant 0 : i32
      %dma_start3A_424 = tpu.memref_slice %arg4[%add3A_412, %dma_start3A_423] : memref<204800x128xf32, #tpu.memory_space<hbm>> -> memref<128x128xf32, #tpu.memory_space<hbm>>
      %dma_start3A_425 = arith.constant 0 : i32
      %dma_start3A_426 = arith.constant 0 : i32
      %dma_start3A_427 = tpu.memref_slice %arg6[%dma_start3A_413, %dma_start3A_425, %dma_start3A_426] : memref<7x128x128xf32, #tpu.memory_space<vmem>> -> memref<1x128x128xf32, #tpu.memory_space<vmem>>
      %dma_start3A_428 = tpu.memref_squeeze %dma_start3A_427 : memref<1x128x128xf32, #tpu.memory_space<vmem>> -> memref<128x128xf32, #tpu.memory_space<vmem>>
      tpu.enqueue_dma source(%dma_start3A_428 : memref<128x128xf32, #tpu.memory_space<vmem>>) target(%dma_start3A_424 : memref<128x128xf32, #tpu.memory_space<hbm>>) target_semaphore(%dma_start3A_422 : memref<!tpu.dma_semaphore, #tpu.memory_space<semaphore_mem>>)
      %mul3A_429 = arith.constant 7 : i32
      %mul3A_430 = arith.muli %scan3A_164, %mul3A_429 : i32
      %add3A_431 = arith.constant 5 : i32
      %add3A_432 = arith.addi %mul3A_430, %add3A_431 : i32
      %ge3A_433 = arith.constant 1 : i32
      %ge3A_434 = arith.cmpi sge, %add3A_432, %ge3A_433 : i32
      %convert_element_type3A_435 = arith.extui %ge3A_434 : i1 to i32
      %cond3A_436 = arith.constant 0 : i32
      %cond3A_437 = arith.cmpi ne, %convert_element_type3A_435, %cond3A_436 : i32
      scf.if %cond3A_437 {
        %sub3A_537 = arith.constant 1 : i32
        %sub3A_538 = arith.subi %add3A_432, %sub3A_537 : i32
        %mul3A_539 = arith.constant 128 : i32
        %mul3A_540 = arith.muli %sub3A_538, %mul3A_539 : i32
        %add3A_541 = arith.addi %mul3A_2, %mul3A_540 : i32
        %dma_wait3A_542 = arith.constant 4 : i32
        %dma_wait3A_543 = arith.constant 4 : i32
        %dma_wait3A_544 = arith.constant 0 : i32
        %dma_wait3A_545 = arith.constant 0 : i32
        %dma_wait3A_546 = tpu.memref_slice %arg6[%dma_wait3A_542, %dma_wait3A_544, %dma_wait3A_545] : memref<7x128x128xf32, #tpu.memory_space<vmem>> -> memref<1x128x128xf32, #tpu.memory_space<vmem>>
        %dma_wait3A_547 = tpu.memref_squeeze %dma_wait3A_546 : memref<1x128x128xf32, #tpu.memory_space<vmem>> -> memref<128x128xf32, #tpu.memory_space<vmem>>
        %dma_wait3A_548 = arith.constant 0 : i32
        %dma_wait3A_549 = tpu.memref_slice %arg4[%add3A_541, %dma_wait3A_548] : memref<204800x128xf32, #tpu.memory_space<hbm>> -> memref<128x128xf32, #tpu.memory_space<hbm>>
        %dma_wait3A_550 = tpu.memref_slice %arg8[%dma_wait3A_543] : memref<7x!tpu.dma_semaphore, #tpu.memory_space<semaphore_mem>> -> memref<1x!tpu.dma_semaphore, #tpu.memory_space<semaphore_mem>>
        %dma_wait3A_551 = tpu.memref_squeeze %dma_wait3A_550 : memref<1x!tpu.dma_semaphore, #tpu.memory_space<semaphore_mem>> -> memref<!tpu.dma_semaphore, #tpu.memory_space<semaphore_mem>>
        %dma_wait3A_552 = arith.constant 0 : i32
        %dma_wait3A_553 = tpu.memref_slice %arg4[%add3A_541, %dma_wait3A_552] : memref<204800x128xf32, #tpu.memory_space<hbm>> -> memref<128x128xf32, #tpu.memory_space<hbm>>
        %dma_wait3A_554 = arith.constant 0 : i32
        %dma_wait3A_555 = arith.constant 0 : i32
        %dma_wait3A_556 = tpu.memref_slice %arg6[%dma_wait3A_542, %dma_wait3A_554, %dma_wait3A_555] : memref<7x128x128xf32, #tpu.memory_space<vmem>> -> memref<1x128x128xf32, #tpu.memory_space<vmem>>
        %dma_wait3A_557 = tpu.memref_squeeze %dma_wait3A_556 : memref<1x128x128xf32, #tpu.memory_space<vmem>> -> memref<128x128xf32, #tpu.memory_space<vmem>>
        tpu.wait_dma2 semaphore(%dma_wait3A_551 : memref<!tpu.dma_semaphore, #tpu.memory_space<semaphore_mem>>) src(%dma_wait3A_557 : memref<128x128xf32, #tpu.memory_space<vmem>>) dst(%dma_wait3A_553 : memref<128x128xf32, #tpu.memory_space<hbm>>)
      } else {
      }
      %ge3A_438 = arith.constant 1 : i32
      %ge3A_439 = arith.cmpi sge, %add3A_432, %ge3A_438 : i32
      %add3A_440 = arith.constant 7 : i32
      %add3A_441 = arith.addi %add3A_432, %add3A_440 : i32
      %sub3A_442 = arith.constant 1 : i32
      %sub3A_443 = arith.subi %add3A_441, %sub3A_442 : i32
      %lt3A_444 = arith.constant 50 : i32
      %lt3A_445 = arith.cmpi slt, %sub3A_443, %lt3A_444 : i32
      %and3A_446 = arith.andi %ge3A_439, %lt3A_445 : i1
      %convert_element_type3A_447 = arith.extui %and3A_446 : i1 to i32
      %cond3A_448 = arith.constant 0 : i32
      %cond3A_449 = arith.cmpi ne, %convert_element_type3A_447, %cond3A_448 : i32
      scf.if %cond3A_449 {
        %add3A_537 = arith.constant 7 : i32
        %add3A_538 = arith.addi %add3A_432, %add3A_537 : i32
        %sub3A_539 = arith.constant 1 : i32
        %sub3A_540 = arith.subi %add3A_538, %sub3A_539 : i32
        %mul3A_541 = arith.constant 128 : i32
        %mul3A_542 = arith.muli %sub3A_540, %mul3A_541 : i32
        %dma_start3A_543 = arith.constant 4 : i32
        %dma_start3A_544 = arith.constant 4 : i32
        %dma_start3A_545 = arith.constant 0 : i32
        %dma_start3A_546 = arith.constant 0 : i32
        %dma_start3A_547 = tpu.memref_slice %arg6[%dma_start3A_543, %dma_start3A_545, %dma_start3A_546] : memref<7x128x128xf32, #tpu.memory_space<vmem>> -> memref<1x128x128xf32, #tpu.memory_space<vmem>>
        %dma_start3A_548 = tpu.memref_squeeze %dma_start3A_547 : memref<1x128x128xf32, #tpu.memory_space<vmem>> -> memref<128x128xf32, #tpu.memory_space<vmem>>
        %dma_start3A_549 = tpu.memref_slice %arg5[%mul3A_542] : memref<6400xi32, #tpu.memory_space<vmem>> -> memref<128xi32, #tpu.memory_space<vmem>>
        %dma_start3A_550 = arith.constant 0 : i32
        %dma_start3A_551 = arith.constant 0 : i32
        %dma_start3A_552 = tpu.memref_slice %arg3[%dma_start3A_550, %dma_start3A_551] : memref<100000x128xf32, #tpu.memory_space<hbm>> -> memref<100000x128xf32, #tpu.memory_space<hbm>>
        %dma_start3A_553 = tpu.memref_slice %arg7[%dma_start3A_544] : memref<7x!tpu.dma_semaphore, #tpu.memory_space<semaphore_mem>> -> memref<1x!tpu.dma_semaphore, #tpu.memory_space<semaphore_mem>>
        %dma_start3A_554 = tpu.memref_squeeze %dma_start3A_553 : memref<1x!tpu.dma_semaphore, #tpu.memory_space<semaphore_mem>> -> memref<!tpu.dma_semaphore, #tpu.memory_space<semaphore_mem>>
        tpu.enqueue_indirect_dma source(%dma_start3A_552 : memref<100000x128xf32, #tpu.memory_space<hbm>>) target(%dma_start3A_548 : memref<128x128xf32, #tpu.memory_space<vmem>>) offsets(%dma_start3A_549 : memref<128xi32, #tpu.memory_space<vmem>>) semaphore(%dma_start3A_554 : memref<!tpu.dma_semaphore, #tpu.memory_space<semaphore_mem>>)
      } else {
      }
      %mul3A_450 = arith.constant 128 : i32
      %mul3A_451 = arith.muli %add3A_432, %mul3A_450 : i32
      %dma_wait3A_452 = arith.constant 5 : i32
      %dma_wait3A_453 = arith.constant 5 : i32
      %dma_wait3A_454 = arith.constant 0 : i32
      %dma_wait3A_455 = arith.constant 0 : i32
      %dma_wait3A_456 = tpu.memref_slice %arg6[%dma_wait3A_452, %dma_wait3A_454, %dma_wait3A_455] : memref<7x128x128xf32, #tpu.memory_space<vmem>> -> memref<1x128x128xf32, #tpu.memory_space<vmem>>
      %dma_wait3A_457 = tpu.memref_squeeze %dma_wait3A_456 : memref<1x128x128xf32, #tpu.memory_space<vmem>> -> memref<128x128xf32, #tpu.memory_space<vmem>>
      %dma_wait3A_458 = tpu.memref_slice %arg5[%mul3A_451] : memref<6400xi32, #tpu.memory_space<vmem>> -> memref<128xi32, #tpu.memory_space<vmem>>
      %dma_wait3A_459 = arith.constant 0 : i32
      %dma_wait3A_460 = arith.constant 0 : i32
      %dma_wait3A_461 = tpu.memref_slice %arg3[%dma_wait3A_459, %dma_wait3A_460] : memref<100000x128xf32, #tpu.memory_space<hbm>> -> memref<100000x128xf32, #tpu.memory_space<hbm>>
      %dma_wait3A_462 = tpu.memref_slice %arg7[%dma_wait3A_453] : memref<7x!tpu.dma_semaphore, #tpu.memory_space<semaphore_mem>> -> memref<1x!tpu.dma_semaphore, #tpu.memory_space<semaphore_mem>>
      %dma_wait3A_463 = tpu.memref_squeeze %dma_wait3A_462 : memref<1x!tpu.dma_semaphore, #tpu.memory_space<semaphore_mem>> -> memref<!tpu.dma_semaphore, #tpu.memory_space<semaphore_mem>>
      tpu.wait_indirect_dma semaphore(%dma_wait3A_463 : memref<!tpu.dma_semaphore, #tpu.memory_space<semaphore_mem>>) src(%dma_wait3A_461 : memref<100000x128xf32, #tpu.memory_space<hbm>>) dst(%dma_wait3A_457 : memref<128x128xf32, #tpu.memory_space<vmem>>)
      %mul3A_464 = arith.constant 128 : i32
      %mul3A_465 = arith.muli %add3A_432, %mul3A_464 : i32
      %add3A_466 = arith.addi %mul3A_2, %mul3A_465 : i32
      %dma_start3A_467 = arith.constant 5 : i32
      %dma_start3A_468 = arith.constant 5 : i32
      %dma_start3A_469 = arith.constant 0 : i32
      %dma_start3A_470 = arith.constant 0 : i32
      %dma_start3A_471 = tpu.memref_slice %arg6[%dma_start3A_467, %dma_start3A_469, %dma_start3A_470] : memref<7x128x128xf32, #tpu.memory_space<vmem>> -> memref<1x128x128xf32, #tpu.memory_space<vmem>>
      %dma_start3A_472 = tpu.memref_squeeze %dma_start3A_471 : memref<1x128x128xf32, #tpu.memory_space<vmem>> -> memref<128x128xf32, #tpu.memory_space<vmem>>
      %dma_start3A_473 = arith.constant 0 : i32
      %dma_start3A_474 = tpu.memref_slice %arg4[%add3A_466, %dma_start3A_473] : memref<204800x128xf32, #tpu.memory_space<hbm>> -> memref<128x128xf32, #tpu.memory_space<hbm>>
      %dma_start3A_475 = tpu.memref_slice %arg8[%dma_start3A_468] : memref<7x!tpu.dma_semaphore, #tpu.memory_space<semaphore_mem>> -> memref<1x!tpu.dma_semaphore, #tpu.memory_space<semaphore_mem>>
      %dma_start3A_476 = tpu.memref_squeeze %dma_start3A_475 : memref<1x!tpu.dma_semaphore, #tpu.memory_space<semaphore_mem>> -> memref<!tpu.dma_semaphore, #tpu.memory_space<semaphore_mem>>
      %dma_start3A_477 = arith.constant 0 : i32
      %dma_start3A_478 = tpu.memref_slice %arg4[%add3A_466, %dma_start3A_477] : memref<204800x128xf32, #tpu.memory_space<hbm>> -> memref<128x128xf32, #tpu.memory_space<hbm>>
      %dma_start3A_479 = arith.constant 0 : i32
      %dma_start3A_480 = arith.constant 0 : i32
      %dma_start3A_481 = tpu.memref_slice %arg6[%dma_start3A_467, %dma_start3A_479, %dma_start3A_480] : memref<7x128x128xf32, #tpu.memory_space<vmem>> -> memref<1x128x128xf32, #tpu.memory_space<vmem>>
      %dma_start3A_482 = tpu.memref_squeeze %dma_start3A_481 : memref<1x128x128xf32, #tpu.memory_space<vmem>> -> memref<128x128xf32, #tpu.memory_space<vmem>>
      tpu.enqueue_dma source(%dma_start3A_482 : memref<128x128xf32, #tpu.memory_space<vmem>>) target(%dma_start3A_478 : memref<128x128xf32, #tpu.memory_space<hbm>>) target_semaphore(%dma_start3A_476 : memref<!tpu.dma_semaphore, #tpu.memory_space<semaphore_mem>>)
      %mul3A_483 = arith.constant 7 : i32
      %mul3A_484 = arith.muli %scan3A_164, %mul3A_483 : i32
      %add3A_485 = arith.constant 6 : i32
      %add3A_486 = arith.addi %mul3A_484, %add3A_485 : i32
      %ge3A_487 = arith.constant 1 : i32
      %ge3A_488 = arith.cmpi sge, %add3A_486, %ge3A_487 : i32
      %convert_element_type3A_489 = arith.extui %ge3A_488 : i1 to i32
      %cond3A_490 = arith.constant 0 : i32
      %cond3A_491 = arith.cmpi ne, %convert_element_type3A_489, %cond3A_490 : i32
      scf.if %cond3A_491 {
        %sub3A_537 = arith.constant 1 : i32
        %sub3A_538 = arith.subi %add3A_486, %sub3A_537 : i32
        %mul3A_539 = arith.constant 128 : i32
        %mul3A_540 = arith.muli %sub3A_538, %mul3A_539 : i32
        %add3A_541 = arith.addi %mul3A_2, %mul3A_540 : i32
        %dma_wait3A_542 = arith.constant 5 : i32
        %dma_wait3A_543 = arith.constant 5 : i32
        %dma_wait3A_544 = arith.constant 0 : i32
        %dma_wait3A_545 = arith.constant 0 : i32
        %dma_wait3A_546 = tpu.memref_slice %arg6[%dma_wait3A_542, %dma_wait3A_544, %dma_wait3A_545] : memref<7x128x128xf32, #tpu.memory_space<vmem>> -> memref<1x128x128xf32, #tpu.memory_space<vmem>>
        %dma_wait3A_547 = tpu.memref_squeeze %dma_wait3A_546 : memref<1x128x128xf32, #tpu.memory_space<vmem>> -> memref<128x128xf32, #tpu.memory_space<vmem>>
        %dma_wait3A_548 = arith.constant 0 : i32
        %dma_wait3A_549 = tpu.memref_slice %arg4[%add3A_541, %dma_wait3A_548] : memref<204800x128xf32, #tpu.memory_space<hbm>> -> memref<128x128xf32, #tpu.memory_space<hbm>>
        %dma_wait3A_550 = tpu.memref_slice %arg8[%dma_wait3A_543] : memref<7x!tpu.dma_semaphore, #tpu.memory_space<semaphore_mem>> -> memref<1x!tpu.dma_semaphore, #tpu.memory_space<semaphore_mem>>
        %dma_wait3A_551 = tpu.memref_squeeze %dma_wait3A_550 : memref<1x!tpu.dma_semaphore, #tpu.memory_space<semaphore_mem>> -> memref<!tpu.dma_semaphore, #tpu.memory_space<semaphore_mem>>
        %dma_wait3A_552 = arith.constant 0 : i32
        %dma_wait3A_553 = tpu.memref_slice %arg4[%add3A_541, %dma_wait3A_552] : memref<204800x128xf32, #tpu.memory_space<hbm>> -> memref<128x128xf32, #tpu.memory_space<hbm>>
        %dma_wait3A_554 = arith.constant 0 : i32
        %dma_wait3A_555 = arith.constant 0 : i32
        %dma_wait3A_556 = tpu.memref_slice %arg6[%dma_wait3A_542, %dma_wait3A_554, %dma_wait3A_555] : memref<7x128x128xf32, #tpu.memory_space<vmem>> -> memref<1x128x128xf32, #tpu.memory_space<vmem>>
        %dma_wait3A_557 = tpu.memref_squeeze %dma_wait3A_556 : memref<1x128x128xf32, #tpu.memory_space<vmem>> -> memref<128x128xf32, #tpu.memory_space<vmem>>
        tpu.wait_dma2 semaphore(%dma_wait3A_551 : memref<!tpu.dma_semaphore, #tpu.memory_space<semaphore_mem>>) src(%dma_wait3A_557 : memref<128x128xf32, #tpu.memory_space<vmem>>) dst(%dma_wait3A_553 : memref<128x128xf32, #tpu.memory_space<hbm>>)
      } else {
      }
      %ge3A_492 = arith.constant 1 : i32
      %ge3A_493 = arith.cmpi sge, %add3A_486, %ge3A_492 : i32
      %add3A_494 = arith.constant 7 : i32
      %add3A_495 = arith.addi %add3A_486, %add3A_494 : i32
      %sub3A_496 = arith.constant 1 : i32
      %sub3A_497 = arith.subi %add3A_495, %sub3A_496 : i32
      %lt3A_498 = arith.constant 50 : i32
      %lt3A_499 = arith.cmpi slt, %sub3A_497, %lt3A_498 : i32
      %and3A_500 = arith.andi %ge3A_493, %lt3A_499 : i1
      %convert_element_type3A_501 = arith.extui %and3A_500 : i1 to i32
      %cond3A_502 = arith.constant 0 : i32
      %cond3A_503 = arith.cmpi ne, %convert_element_type3A_501, %cond3A_502 : i32
      scf.if %cond3A_503 {
        %add3A_537 = arith.constant 7 : i32
        %add3A_538 = arith.addi %add3A_486, %add3A_537 : i32
        %sub3A_539 = arith.constant 1 : i32
        %sub3A_540 = arith.subi %add3A_538, %sub3A_539 : i32
        %mul3A_541 = arith.constant 128 : i32
        %mul3A_542 = arith.muli %sub3A_540, %mul3A_541 : i32
        %dma_start3A_543 = arith.constant 5 : i32
        %dma_start3A_544 = arith.constant 5 : i32
        %dma_start3A_545 = arith.constant 0 : i32
        %dma_start3A_546 = arith.constant 0 : i32
        %dma_start3A_547 = tpu.memref_slice %arg6[%dma_start3A_543, %dma_start3A_545, %dma_start3A_546] : memref<7x128x128xf32, #tpu.memory_space<vmem>> -> memref<1x128x128xf32, #tpu.memory_space<vmem>>
        %dma_start3A_548 = tpu.memref_squeeze %dma_start3A_547 : memref<1x128x128xf32, #tpu.memory_space<vmem>> -> memref<128x128xf32, #tpu.memory_space<vmem>>
        %dma_start3A_549 = tpu.memref_slice %arg5[%mul3A_542] : memref<6400xi32, #tpu.memory_space<vmem>> -> memref<128xi32, #tpu.memory_space<vmem>>
        %dma_start3A_550 = arith.constant 0 : i32
        %dma_start3A_551 = arith.constant 0 : i32
        %dma_start3A_552 = tpu.memref_slice %arg3[%dma_start3A_550, %dma_start3A_551] : memref<100000x128xf32, #tpu.memory_space<hbm>> -> memref<100000x128xf32, #tpu.memory_space<hbm>>
        %dma_start3A_553 = tpu.memref_slice %arg7[%dma_start3A_544] : memref<7x!tpu.dma_semaphore, #tpu.memory_space<semaphore_mem>> -> memref<1x!tpu.dma_semaphore, #tpu.memory_space<semaphore_mem>>
        %dma_start3A_554 = tpu.memref_squeeze %dma_start3A_553 : memref<1x!tpu.dma_semaphore, #tpu.memory_space<semaphore_mem>> -> memref<!tpu.dma_semaphore, #tpu.memory_space<semaphore_mem>>
        tpu.enqueue_indirect_dma source(%dma_start3A_552 : memref<100000x128xf32, #tpu.memory_space<hbm>>) target(%dma_start3A_548 : memref<128x128xf32, #tpu.memory_space<vmem>>) offsets(%dma_start3A_549 : memref<128xi32, #tpu.memory_space<vmem>>) semaphore(%dma_start3A_554 : memref<!tpu.dma_semaphore, #tpu.memory_space<semaphore_mem>>)
      } else {
      }
      %mul3A_504 = arith.constant 128 : i32
      %mul3A_505 = arith.muli %add3A_486, %mul3A_504 : i32
      %dma_wait3A_506 = arith.constant 6 : i32
      %dma_wait3A_507 = arith.constant 6 : i32
      %dma_wait3A_508 = arith.constant 0 : i32
      %dma_wait3A_509 = arith.constant 0 : i32
      %dma_wait3A_510 = tpu.memref_slice %arg6[%dma_wait3A_506, %dma_wait3A_508, %dma_wait3A_509] : memref<7x128x128xf32, #tpu.memory_space<vmem>> -> memref<1x128x128xf32, #tpu.memory_space<vmem>>
      %dma_wait3A_511 = tpu.memref_squeeze %dma_wait3A_510 : memref<1x128x128xf32, #tpu.memory_space<vmem>> -> memref<128x128xf32, #tpu.memory_space<vmem>>
      %dma_wait3A_512 = tpu.memref_slice %arg5[%mul3A_505] : memref<6400xi32, #tpu.memory_space<vmem>> -> memref<128xi32, #tpu.memory_space<vmem>>
      %dma_wait3A_513 = arith.constant 0 : i32
      %dma_wait3A_514 = arith.constant 0 : i32
      %dma_wait3A_515 = tpu.memref_slice %arg3[%dma_wait3A_513, %dma_wait3A_514] : memref<100000x128xf32, #tpu.memory_space<hbm>> -> memref<100000x128xf32, #tpu.memory_space<hbm>>
      %dma_wait3A_516 = tpu.memref_slice %arg7[%dma_wait3A_507] : memref<7x!tpu.dma_semaphore, #tpu.memory_space<semaphore_mem>> -> memref<1x!tpu.dma_semaphore, #tpu.memory_space<semaphore_mem>>
      %dma_wait3A_517 = tpu.memref_squeeze %dma_wait3A_516 : memref<1x!tpu.dma_semaphore, #tpu.memory_space<semaphore_mem>> -> memref<!tpu.dma_semaphore, #tpu.memory_space<semaphore_mem>>
      tpu.wait_indirect_dma semaphore(%dma_wait3A_517 : memref<!tpu.dma_semaphore, #tpu.memory_space<semaphore_mem>>) src(%dma_wait3A_515 : memref<100000x128xf32, #tpu.memory_space<hbm>>) dst(%dma_wait3A_511 : memref<128x128xf32, #tpu.memory_space<vmem>>)
      %mul3A_518 = arith.constant 128 : i32
      %mul3A_519 = arith.muli %add3A_486, %mul3A_518 : i32
      %add3A_520 = arith.addi %mul3A_2, %mul3A_519 : i32
      %dma_start3A_521 = arith.constant 6 : i32
      %dma_start3A_522 = arith.constant 6 : i32
      %dma_start3A_523 = arith.constant 0 : i32
      %dma_start3A_524 = arith.constant 0 : i32
      %dma_start3A_525 = tpu.memref_slice %arg6[%dma_start3A_521, %dma_start3A_523, %dma_start3A_524] : memref<7x128x128xf32, #tpu.memory_space<vmem>> -> memref<1x128x128xf32, #tpu.memory_space<vmem>>
      %dma_start3A_526 = tpu.memref_squeeze %dma_start3A_525 : memref<1x128x128xf32, #tpu.memory_space<vmem>> -> memref<128x128xf32, #tpu.memory_space<vmem>>
      %dma_start3A_527 = arith.constant 0 : i32
      %dma_start3A_528 = tpu.memref_slice %arg4[%add3A_520, %dma_start3A_527] : memref<204800x128xf32, #tpu.memory_space<hbm>> -> memref<128x128xf32, #tpu.memory_space<hbm>>
      %dma_start3A_529 = tpu.memref_slice %arg8[%dma_start3A_522] : memref<7x!tpu.dma_semaphore, #tpu.memory_space<semaphore_mem>> -> memref<1x!tpu.dma_semaphore, #tpu.memory_space<semaphore_mem>>
      %dma_start3A_530 = tpu.memref_squeeze %dma_start3A_529 : memref<1x!tpu.dma_semaphore, #tpu.memory_space<semaphore_mem>> -> memref<!tpu.dma_semaphore, #tpu.memory_space<semaphore_mem>>
      %dma_start3A_531 = arith.constant 0 : i32
      %dma_start3A_532 = tpu.memref_slice %arg4[%add3A_520, %dma_start3A_531] : memref<204800x128xf32, #tpu.memory_space<hbm>> -> memref<128x128xf32, #tpu.memory_space<hbm>>
      %dma_start3A_533 = arith.constant 0 : i32
      %dma_start3A_534 = arith.constant 0 : i32
      %dma_start3A_535 = tpu.memref_slice %arg6[%dma_start3A_521, %dma_start3A_533, %dma_start3A_534] : memref<7x128x128xf32, #tpu.memory_space<vmem>> -> memref<1x128x128xf32, #tpu.memory_space<vmem>>
      %dma_start3A_536 = tpu.memref_squeeze %dma_start3A_535 : memref<1x128x128xf32, #tpu.memory_space<vmem>> -> memref<128x128xf32, #tpu.memory_space<vmem>>
      tpu.enqueue_dma source(%dma_start3A_536 : memref<128x128xf32, #tpu.memory_space<vmem>>) target(%dma_start3A_532 : memref<128x128xf32, #tpu.memory_space<hbm>>) target_semaphore(%dma_start3A_530 : memref<!tpu.dma_semaphore, #tpu.memory_space<semaphore_mem>>)
    }
    %scan3A_97 = arith.constant 7 : i32
    %add3A_98 = arith.constant 6144 : i32
    %add3A_99 = arith.addi %mul3A_2, %add3A_98 : i32
    %dma_wait3A = arith.constant 6 : i32
    %dma_wait3A_100 = arith.constant 6 : i32
    %dma_wait3A_101 = arith.constant 0 : i32
    %dma_wait3A_102 = arith.constant 0 : i32
    %dma_wait3A_103 = tpu.memref_slice %arg6[%dma_wait3A, %dma_wait3A_101, %dma_wait3A_102] : memref<7x128x128xf32, #tpu.memory_space<vmem>> -> memref<1x128x128xf32, #tpu.memory_space<vmem>>
    %dma_wait3A_104 = tpu.memref_squeeze %dma_wait3A_103 : memref<1x128x128xf32, #tpu.memory_space<vmem>> -> memref<128x128xf32, #tpu.memory_space<vmem>>
    %dma_wait3A_105 = arith.constant 0 : i32
    %dma_wait3A_106 = tpu.memref_slice %arg4[%add3A_99, %dma_wait3A_105] : memref<204800x128xf32, #tpu.memory_space<hbm>> -> memref<128x128xf32, #tpu.memory_space<hbm>>
    %dma_wait3A_107 = tpu.memref_slice %arg8[%dma_wait3A_100] : memref<7x!tpu.dma_semaphore, #tpu.memory_space<semaphore_mem>> -> memref<1x!tpu.dma_semaphore, #tpu.memory_space<semaphore_mem>>
    %dma_wait3A_108 = tpu.memref_squeeze %dma_wait3A_107 : memref<1x!tpu.dma_semaphore, #tpu.memory_space<semaphore_mem>> -> memref<!tpu.dma_semaphore, #tpu.memory_space<semaphore_mem>>
    %dma_wait3A_109 = arith.constant 0 : i32
    %dma_wait3A_110 = tpu.memref_slice %arg4[%add3A_99, %dma_wait3A_109] : memref<204800x128xf32, #tpu.memory_space<hbm>> -> memref<128x128xf32, #tpu.memory_space<hbm>>
    %dma_wait3A_111 = arith.constant 0 : i32
    %dma_wait3A_112 = arith.constant 0 : i32
    %dma_wait3A_113 = tpu.memref_slice %arg6[%dma_wait3A, %dma_wait3A_111, %dma_wait3A_112] : memref<7x128x128xf32, #tpu.memory_space<vmem>> -> memref<1x128x128xf32, #tpu.memory_space<vmem>>
    %dma_wait3A_114 = tpu.memref_squeeze %dma_wait3A_113 : memref<1x128x128xf32, #tpu.memory_space<vmem>> -> memref<128x128xf32, #tpu.memory_space<vmem>>
    tpu.wait_dma2 semaphore(%dma_wait3A_108 : memref<!tpu.dma_semaphore, #tpu.memory_space<semaphore_mem>>) src(%dma_wait3A_114 : memref<128x128xf32, #tpu.memory_space<vmem>>) dst(%dma_wait3A_110 : memref<128x128xf32, #tpu.memory_space<hbm>>)
    %dma_wait3A_115 = arith.constant 0 : i32
    %dma_wait3A_116 = arith.constant 0 : i32
    %dma_wait3A_117 = arith.constant 0 : i32
    %dma_wait3A_118 = arith.constant 0 : i32
    %dma_wait3A_119 = tpu.memref_slice %arg6[%dma_wait3A_115, %dma_wait3A_117, %dma_wait3A_118] : memref<7x128x128xf32, #tpu.memory_space<vmem>> -> memref<1x128x128xf32, #tpu.memory_space<vmem>>
    %dma_wait3A_120 = tpu.memref_squeeze %dma_wait3A_119 : memref<1x128x128xf32, #tpu.memory_space<vmem>> -> memref<128x128xf32, #tpu.memory_space<vmem>>
    %dma_wait3A_121 = arith.constant 6272 : i32
    %dma_wait3A_122 = tpu.memref_slice %arg5[%dma_wait3A_121] : memref<6400xi32, #tpu.memory_space<vmem>> -> memref<128xi32, #tpu.memory_space<vmem>>
    %dma_wait3A_123 = arith.constant 0 : i32
    %dma_wait3A_124 = arith.constant 0 : i32
    %dma_wait3A_125 = tpu.memref_slice %arg3[%dma_wait3A_123, %dma_wait3A_124] : memref<100000x128xf32, #tpu.memory_space<hbm>> -> memref<100000x128xf32, #tpu.memory_space<hbm>>
    %dma_wait3A_126 = tpu.memref_slice %arg7[%dma_wait3A_116] : memref<7x!tpu.dma_semaphore, #tpu.memory_space<semaphore_mem>> -> memref<1x!tpu.dma_semaphore, #tpu.memory_space<semaphore_mem>>
    %dma_wait3A_127 = tpu.memref_squeeze %dma_wait3A_126 : memref<1x!tpu.dma_semaphore, #tpu.memory_space<semaphore_mem>> -> memref<!tpu.dma_semaphore, #tpu.memory_space<semaphore_mem>>
    tpu.wait_indirect_dma semaphore(%dma_wait3A_127 : memref<!tpu.dma_semaphore, #tpu.memory_space<semaphore_mem>>) src(%dma_wait3A_125 : memref<100000x128xf32, #tpu.memory_space<hbm>>) dst(%dma_wait3A_120 : memref<128x128xf32, #tpu.memory_space<vmem>>)
    %add3A_128 = arith.constant 6272 : i32
    %add3A_129 = arith.addi %mul3A_2, %add3A_128 : i32
    %dma_start3A_130 = arith.constant 0 : i32
    %dma_start3A_131 = arith.constant 0 : i32
    %dma_start3A_132 = arith.constant 0 : i32
    %dma_start3A_133 = arith.constant 0 : i32
    %dma_start3A_134 = tpu.memref_slice %arg6[%dma_start3A_130, %dma_start3A_132, %dma_start3A_133] : memref<7x128x128xf32, #tpu.memory_space<vmem>> -> memref<1x128x128xf32, #tpu.memory_space<vmem>>
    %dma_start3A_135 = tpu.memref_squeeze %dma_start3A_134 : memref<1x128x128xf32, #tpu.memory_space<vmem>> -> memref<128x128xf32, #tpu.memory_space<vmem>>
    %dma_start3A_136 = arith.constant 0 : i32
    %dma_start3A_137 = tpu.memref_slice %arg4[%add3A_129, %dma_start3A_136] : memref<204800x128xf32, #tpu.memory_space<hbm>> -> memref<128x128xf32, #tpu.memory_space<hbm>>
    %dma_start3A_138 = tpu.memref_slice %arg8[%dma_start3A_131] : memref<7x!tpu.dma_semaphore, #tpu.memory_space<semaphore_mem>> -> memref<1x!tpu.dma_semaphore, #tpu.memory_space<semaphore_mem>>
    %dma_start3A_139 = tpu.memref_squeeze %dma_start3A_138 : memref<1x!tpu.dma_semaphore, #tpu.memory_space<semaphore_mem>> -> memref<!tpu.dma_semaphore, #tpu.memory_space<semaphore_mem>>
    %dma_start3A_140 = arith.constant 0 : i32
    %dma_start3A_141 = tpu.memref_slice %arg4[%add3A_129, %dma_start3A_140] : memref<204800x128xf32, #tpu.memory_space<hbm>> -> memref<128x128xf32, #tpu.memory_space<hbm>>
    %dma_start3A_142 = arith.constant 0 : i32
    %dma_start3A_143 = arith.constant 0 : i32
    %dma_start3A_144 = tpu.memref_slice %arg6[%dma_start3A_130, %dma_start3A_142, %dma_start3A_143] : memref<7x128x128xf32, #tpu.memory_space<vmem>> -> memref<1x128x128xf32, #tpu.memory_space<vmem>>
    %dma_start3A_145 = tpu.memref_squeeze %dma_start3A_144 : memref<1x128x128xf32, #tpu.memory_space<vmem>> -> memref<128x128xf32, #tpu.memory_space<vmem>>
    tpu.enqueue_dma source(%dma_start3A_145 : memref<128x128xf32, #tpu.memory_space<vmem>>) target(%dma_start3A_141 : memref<128x128xf32, #tpu.memory_space<hbm>>) target_semaphore(%dma_start3A_139 : memref<!tpu.dma_semaphore, #tpu.memory_space<semaphore_mem>>)
    %add3A_146 = arith.constant 6272 : i32
    %add3A_147 = arith.addi %mul3A_2, %add3A_146 : i32
    %dma_wait3A_148 = arith.constant 0 : i32
    %dma_wait3A_149 = arith.constant 0 : i32
    %dma_wait3A_150 = arith.constant 0 : i32
    %dma_wait3A_151 = arith.constant 0 : i32
    %dma_wait3A_152 = tpu.memref_slice %arg6[%dma_wait3A_148, %dma_wait3A_150, %dma_wait3A_151] : memref<7x128x128xf32, #tpu.memory_space<vmem>> -> memref<1x128x128xf32, #tpu.memory_space<vmem>>
    %dma_wait3A_153 = tpu.memref_squeeze %dma_wait3A_152 : memref<1x128x128xf32, #tpu.memory_space<vmem>> -> memref<128x128xf32, #tpu.memory_space<vmem>>
    %dma_wait3A_154 = arith.constant 0 : i32
    %dma_wait3A_155 = tpu.memref_slice %arg4[%add3A_147, %dma_wait3A_154] : memref<204800x128xf32, #tpu.memory_space<hbm>> -> memref<128x128xf32, #tpu.memory_space<hbm>>
    %dma_wait3A_156 = tpu.memref_slice %arg8[%dma_wait3A_149] : memref<7x!tpu.dma_semaphore, #tpu.memory_space<semaphore_mem>> -> memref<1x!tpu.dma_semaphore, #tpu.memory_space<semaphore_mem>>
    %dma_wait3A_157 = tpu.memref_squeeze %dma_wait3A_156 : memref<1x!tpu.dma_semaphore, #tpu.memory_space<semaphore_mem>> -> memref<!tpu.dma_semaphore, #tpu.memory_space<semaphore_mem>>
    %dma_wait3A_158 = arith.constant 0 : i32
    %dma_wait3A_159 = tpu.memref_slice %arg4[%add3A_147, %dma_wait3A_158] : memref<204800x128xf32, #tpu.memory_space<hbm>> -> memref<128x128xf32, #tpu.memory_space<hbm>>
    %dma_wait3A_160 = arith.constant 0 : i32
    %dma_wait3A_161 = arith.constant 0 : i32
    %dma_wait3A_162 = tpu.memref_slice %arg6[%dma_wait3A_148, %dma_wait3A_160, %dma_wait3A_161] : memref<7x128x128xf32, #tpu.memory_space<vmem>> -> memref<1x128x128xf32, #tpu.memory_space<vmem>>
    %dma_wait3A_163 = tpu.memref_squeeze %dma_wait3A_162 : memref<1x128x128xf32, #tpu.memory_space<vmem>> -> memref<128x128xf32, #tpu.memory_space<vmem>>
    tpu.wait_dma2 semaphore(%dma_wait3A_157 : memref<!tpu.dma_semaphore, #tpu.memory_space<semaphore_mem>>) src(%dma_wait3A_163 : memref<128x128xf32, #tpu.memory_space<vmem>>) dst(%dma_wait3A_159 : memref<128x128xf32, #tpu.memory_space<hbm>>)
    return
  }
}

</mosaic_0001>

<sc_bundles>
// kernel: kernel.3.cloned.1.call-start
scs
__scs_entry_jumppad:
0x0: {  	(pc) =	sbr.rel $0x88, $3  }
0x1: {  	(tag) =	ssettag $0x0;
	lr =	simm.s32 $0x1  }
0x2: {  	[smem:$0x3F9F] =	sst lr;
	_ =	strace $0xD0000000  }
0x3: {  	_ = 	snop  }
0x4: {  	_ = 	snop  }
0x5: {  	_ = 	snop  }
0x6: {  	_ = 	snop  }
0x7: {  	_ = 	snop  }
__scs_overlays_trampoline_lowered:
0x8: {  	[smem:$0x3FAE] =	sst s0  }
0x9: {  	[smem:$0x3FAF] =	sst s1  }
0xa: {  	[smem:$0x3FB0] =	sst s2  }
0xb: {  	[smem:$0x3FB1] =	sst s3  }
0xc: {  	[smem:$0x3FB2] =	sst s4  }
0xd: {  	[smem:$0x3FB3] =	sst s5  }
0xe: {  	[smem:$0x3FB4] =	sst s6  }
0xf: {  	[smem:$0x3FB5] =	sst s7  }
0x10: {  	[smem:$0x3FB6] =	sst s8  }
0x11: {  	[smem:$0x3FB7] =	sst s9;
	s0 =	simm.s32 @!p0 $0x0  }
0x12: {  	s1 =	sld [smem:$0x3F9D];
	s0 =	simm.s32 @p0 $0x1  }
0x13: {  	[smem:$0x3FB8] =	sst s0;
	s0 =	simm.s32 @!p1 $0x0  }
0x14: {  	s2 =	sld [smem:$0x3F9C];
	s0 =	simm.s32 @p1 $0x1  }
0x15: {  	[smem:$0x3FB9] =	sst s0;
	s0 =	simm.s32 @!p2 $0x0  }
0x16: {  	s3 =	sld [smem:$0x3FDB];
	s0 =	simm.s32 @p2 $0x1  }
0x17: {  	s4 =	simm.s32 $0x1BF5;
	[smem:$0x3FBB] =	sst s0  }
0x18: {  	s0 =	sld [smem:$0x3F9E];
	_ =	swait.ge [sflag:s4], $0x0  }
0x19: {  	s7 =	sld [smem:$0x3F9F]  }
0x1a: {  	s8 =	sadd.s32 $0xFFFFE003, lr  }
0x1b: {  	s9 =	sadd.s32 $0xFFFFFEF7, lr;
	s5 =	simm.s32 $0xFFFFFFFF;
	p2 =	slt.u32 s8, $0xFFFFF086  }
0x1c: {  	p1 =	slt.u32 s9, $0xF7A;
	s5 =	simm.s32 @!p2 $0x0  }
0x1d: {  	s5 =	simm.s32 @p1 $0x1;
	p0 =	seq.s32 s7, s2  }
0x1e: {  	s7 =	smul.u32 @!p0 $0xF7A, s2;
	p2 =	seq.s32 @!p0 s5, $0x0  }
0x1f: {  	s9 =	smul.u32 $0xF7A, s1;
	s8 =	simm.s32 @!p0 $0x1BF5;
	p2 =	por !p2, p0  }
0x20: {  	[sflag:s8] =	ssyncset.s32 @!p0 $0xFFFFF086;
	s6 =	sadd.s32 @!p0 s3, s7;
	s7 =	simm.s32 @!p0 $0x108  }
0x21: {  	s3 =	sadd.s32 s3, s9;
	s6 =	sadd.s32 @!p0 $0x88, s6;
	s7 =	simm.s32 @p2 $0x1082  }
0x22: {  	[simem:s7], [sflag:s8] =	dma.local @!p0 [hbm:s6], $0xF7A  }
0x23: {  	s9 =	sor.u32 $0xD0000000, s2;
	s6 =	simm.s32 $0x108;
	_ =	swait.ge @!p0 [sflag:s8], $0x0  }
0x24: {  	s3 =	sadd.s32 $0x88, s3;
	s6 =	simm.s32 @!p1 $0x1082;
	[sflag:s4] =	ssyncset.s32 $0xFFFFF086  }
0x25: {  	[simem:s6], [sflag:s4] =	dma.local [hbm:s3], $0xF7A  }
0x26: {  	[smem:$0x3F9F] =	sst s1;
	(tag) =	ssettag s2;
	_ =	strace s9  }
0x27: {  	s1 =	sld [smem:$0x3FAF]  }
0x28: {  	s2 =	sld [smem:$0x3FB0]  }
0x29: {  	s4 =	sld [smem:$0x3FB2]  }
0x2a: {  	p0 =	seq.s32 s5, $0x0;
	s5 =	sld [smem:$0x3FB3]  }
0x2b: {  	s6 =	sld [smem:$0x3FB4]  }
0x2c: {  	s7 =	sld [smem:$0x3FB5]  }
0x2d: {  	s3 =	simm.s32 $0x108;
	s8 =	sld [smem:$0x3FB6]  }
0x2e: {  	s3 =	simm.s32 @!p0 $0x1082;
	s9 =	sld [smem:$0x3FB7]  }
0x2f: {  	lr =	sadd.s32 s0, s3;
	s0 =	sld [smem:$0x3FAE]  }
0x30: {  	s3 =	sld [smem:$0x3FB1]  }
0x31: {  	[smem:$0x3FBA] =	sst s10  }
0x32: {  	s10 =	sld [smem:$0x3FB8];
	_ =	sdelay $0x3  }
0x33: {  	p0 =	seq.s32 s10, $0x1;
	s10 =	sld [smem:$0x3FBA];
	_ =	sdelay $0x3  }
0x34: {  	[smem:$0x3FBA] =	sst s10  }
0x35: {  	s10 =	sld [smem:$0x3FB9];
	_ =	sdelay $0x3  }
0x36: {  	p1 =	seq.s32 s10, $0x1;
	s10 =	sld [smem:$0x3FBA];
	_ =	sdelay $0x3  }
0x37: {  	[smem:$0x3FBA] =	sst s10  }
0x38: {  	s10 =	sld [smem:$0x3FBB]  }
0x39: {  	_ = 	snop;
	(pc) =	sbr.ind lr, $3  }
0x3a: {  	_ = 	snop  }
0x3b: {  	_ = 	snop  }
0x3c: {  	p2 =	seq.s32 s10, $0x1;
	s10 =	sld [smem:$0x3FBA]  }
0x3d: {  	_ =	shalt  }
0x3e: {  	_ =	shalt  }
0x3f: {  	_ =	shalt  }
0x40: {  	_ =	shalt  }
0x41: {  	_ =	shalt  }
0x42: {  	_ =	shalt  }
0x43: {  	_ =	shalt  }
0x44: {  	_ =	shalt  }
0x45: {  	_ =	shalt  }
0x46: {  	_ =	shalt  }
0x47: {  	_ =	shalt  }
0x48: {  	_ =	shalt  }
0x49: {  	_ =	shalt  }
0x4a: {  	_ =	shalt  }
0x4b: {  	_ =	shalt  }
0x4c: {  	_ =	shalt  }
0x4d: {  	_ =	shalt  }
0x4e: {  	_ =	shalt  }
0x4f: {  	_ =	shalt  }
0x50: {  	_ =	shalt  }
0x51: {  	_ =	shalt  }
0x52: {  	_ =	shalt  }
0x53: {  	_ =	shalt  }
0x54: {  	_ =	shalt  }
0x55: {  	_ =	shalt  }
0x56: {  	_ =	shalt  }
0x57: {  	_ =	shalt  }
0x58: {  	_ =	shalt  }
0x59: {  	_ =	shalt  }
0x5a: {  	_ =	shalt  }
0x5b: {  	_ =	shalt  }
0x5c: {  	_ =	shalt  }
0x5d: {  	_ =	shalt  }
0x5e: {  	_ =	shalt  }
0x5f: {  	_ =	shalt  }
0x60: {  	_ =	shalt  }
0x61: {  	_ =	shalt  }
0x62: {  	_ =	shalt  }
0x63: {  	_ =	shalt  }
0x64: {  	_ =	shalt  }
0x65: {  	_ =	shalt  }
0x66: {  	_ =	shalt  }
0x67: {  	_ =	shalt  }
0x68: {  	_ =	shalt  }
0x69: {  	_ =	shalt  }
0x6a: {  	_ =	shalt  }
0x6b: {  	_ =	shalt  }
0x6c: {  	_ =	shalt  }
0x6d: {  	_ =	shalt  }
0x6e: {  	_ =	shalt  }
0x6f: {  	_ =	shalt  }
0x70: {  	_ =	shalt  }
0x71: {  	_ =	shalt  }
0x72: {  	_ =	shalt  }
0x73: {  	_ =	shalt  }
0x74: {  	_ =	shalt  }
0x75: {  	_ =	shalt  }
0x76: {  	_ =	shalt  }
0x77: {  	_ =	shalt  }
0x78: {  	_ =	shalt  }
0x79: {  	_ =	shalt  }
0x7a: {  	_ =	shalt  }
0x7b: {  	_ =	shalt  }
0x7c: {  	_ =	shalt  }
0x7d: {  	_ =	shalt  }
0x7e: {  	_ =	shalt  }
0x7f: {  	_ =	shalt  }
0x80: {  	_ =	shalt  }
0x81: {  	_ =	shalt  }
0x82: {  	_ =	shalt  }
0x83: {  	_ =	shalt  }
0x84: {  	_ =	shalt  }
0x85: {  	_ =	shalt  }
0x86: {  	_ =	shalt  }
0x87: {  	_ =	shalt  }
.Lfunc_end0:
.L_simem_size_0:
called_computation_lowered:
.L_overlay_start_0:
0x88: {  	s2 =	sld [smem:$0x3FD9]  }
0x89: {  	s3 =	sld [smem:$0x3FFE];
	_ =	sdelay $0x1  }
0x8a: {  	s1 =	srdreg.scid  }
0x8b: {  	s0 =	sand.u32 $0x1, s1  }
0x8c: {  	s17 =	sshll.u32 s0, $0xA;
	s2 =	sadd.s32 s3, s2  }
0x8d: {  	s2 =	sadd.s32 s2, s17  }
0x8e: {  	[smem:$0x3FC6] =	sst s2  }
0x8f: {  	_ = 	snop  }
0x90: {  	s2 =	sld [smem:$0x3FC8]  }
0x91: {  	s18 =	sld [smem:$0x3FD0];
	(tm) =	ssettm $0x1  }
0x92: {  	s4 =	sld [smem:$0x3FFB];
	_ =	sdelay $0x3  }
0x93: {  	_ =	strace s4  }
0x94: {  	s4 =	sld [smem:$0x3FFC];
	_ =	sdelay $0x3  }
0x95: {  	_ =	strace s4  }
0x96: {  	s4 =	sld [smem:$0x3FFD];
	_ =	sdelay $0x3  }
0x97: {  	_ =	strace s4  }
0x98: {  	_ =	strace $0x8FFFFFFF  }
0x99: {  	s19 =	sld [smem:$0x3FDB];
	_ =	sdelay $0x1  }
0x9a: {  	s5 =	simm.s32 $_scs_section_size  }
0x9b: {  	s6 =	simm.s32 $_size__tile_overlayer_lowered;
	s7 =	simm.s32 $_tile_overlayer_lowered  }
0x9c: {  	s22 =	simm.s32 $0x1BFF;
	s21 =	sshll.u32 s7, $0x1;
	s4 =	sadd.s32 s5, s19  }
0x9d: {  	s8 =	simm.s32 $0x0;
	s20 =	sshll.u32 s6, $0x1;
	s6 =	sadd.s32 s21, s4  }
0x9e: {  	[timem:s8], [sflag:s22] =	dma.local [hbm:s6], s20  }
0x9f: {  	_ =	swait.ge [sflag:s22], s20  }
0xa0: {  	s5 =	ssub.s32 $0x0, s20;
	[sflag:s22] =	ssyncset.done $0x0  }
0xa1: {  	[sflag:s22] =	ssyncadd.s32 s5;
	_ =	sdelay $0x1  }
0xa2: {  	s23 =	simm.s32 $0x1B8B  }
0xa3: {  	_ =	swait.ge [sflag:s23], $0x1  }
0xa4: {  	[sflag:s23] =	ssyncset.done $0x0  }
0xa5: {  	s25 =	simm.s32 $0x1B8E;
	s24 =	sld [smem:$0x3FFE];
	[sflag:s23] =	ssyncadd.s32 $0xFFFFFFFF  }
0xa6: {  	s26 =	simm.s32 $execute0_lowered;
	[smem:$0x3FD2] =	sst s25  }
0xa7: {  	s6 =	sshll.u32 s26, $0x1;
	_ =	strace $0x80000046;
	[dreg:$0x1] =	wrdreg $0xFFFFFFFF  }
0xa8: {  	s28 =	simm.s32 $_size_execute0_lowered;
	s4 =	sadd.s32 s4, s6;
	[dreg:$0x0] =	wrdreg $0x0  }
0xa9: {  	s6 =	sshll.u32 s28, $0x1;
	[dreg:$0x2] =	wrdreg s4  }
0xaa: {  	[dreg:$0x3] =	wrdreg s6  }
0xab: {  	[dreg:$0x4] =	wrdreg $0xC0  }
0xac: {  	_ =	task [dreg:s8], $0x5FFFF  }
0xad: {  	[dreg:$0x1] =	wrdreg $0xFFFFFFFF  }
0xae: {  	[dreg:$0x0] =	wrdreg $0x60  }
0xaf: {  	[dreg:$0x2] =	wrdreg s24  }
0xb0: {  	[dreg:$0x3] =	wrdreg s2  }
0xb1: {  	[dreg:$0x4] =	wrdreg s18  }
0xb2: {  	[dreg:$0x5] =	wrdreg $0x9  }
0xb3: {  	_ =	task.clear_ibuf [dreg:s8], $0x6FFFF;
	_ =	strace $0x90000046  }
0xb4: {  	s29 =	simm.s32 $0x9;
	_ =	strace $0x80000048  }
0xb5: {  	_ =	swait.ge [sflag:s29], $0x1  }
0xb6: {  	[sflag:s29] =	ssyncadd.s32 $0xFFFFFFFF  }
0xb7: {  	_ =	strace $0x90000048  }
0xb8: {  	_ =	sfence  }
0xb9: {  	s30 =	sld [smem:$0x0];
	_ =	sdelay $0x2  }
0xba: {  	s31 =	sshll.u32 s1, $0xD;
	s1 =	sshrl.u32 s1, $0x2  }
0xbb: {  	s3 =	sand.u32 $0x4000, s31;
	s1 =	sadd.s32 s1, s30  }
0xbc: {  	s0 =	sor.u32 s3, s0;
	s1 =	sshll.u32 s1, $0x11  }
0xbd: {  	s0 =	sor.u32 s1, s0  }
0xbe: {  	s0 =	sadd.s32 $0x8F2B, s0  }
0xbf: {  	[sflag:s0] =	ssyncadd.remote.s32 $0x1  }
0xc0: {  	_ =	sfence.sel $0xFFFF  }
0xc1: {  	[dreg:$0x0] =	wrdreg $0xFFFFFFFF;
	(pc) =	sbr.abs _section_cstart, $3  }
0xc2: {  	[dreg:$0x1] =	wrdreg $0xFFFFFFFF  }
0xc3: {  	_ =	task.clear_ibuf [dreg:s8], $0x2FFFF;
	_ =	strace $0x9FFFFFFF  }
0xc4: {  	(tm) =	ssettm $0x7FFFFFFF  }
0xc5: {  	_ =	shalt  }
tec
execute0_lowered:
.L_overlay_start_1:
0x0: {  	(tag) =	ssettag $0x1  }
0x1: {  	s0 =	rddreg [dreg:$0x0]  }
0x2: {  	s1 =	srdreg.scid;
	s2 =	rddreg [dreg:$0x1]  }
0x3: {  	s8 =	stileid.u32;
	s10 =	rddreg [dreg:$0x2];
	s4 =	simm.s32 $0x0  }
0x4: {  	s11 =	simm.s32 $0x1900;
	s28 =	simm.s32 $0x3;
	s12 =	smul.u32 $0x32000, s8  }
0x5: {  	s1 =	sand.u32 $0x1, s1;
	s3 =	sshll.u32 s8, $0x1;
	s8 =	smul.u32 $0x190000, s8  }
0x6: {  	s29 =	simm.s32 $0xA;
	s30 =	simm.s32 $0x4;
	s9 =	smul.u32 $0xC8000, s1  }
0x7: {  	s3 =	sor.u32 s1, s3;
	s7 =	ssub.s32 $0x2, s1;
	s1 =	smul.u32 $0x19000, s1  }
0x8: {  	s31 =	simm.s32 $0xB;
	[smem:$0x7FF] =	sst s4;
	s6 =	smul.u32 $0x1900, s3  }
0x9: {  	_ =	strace $0x80000047;
	s5 =	smul.u32 $0xC8000, s3;
	s13 =	sshrl.u32 s7, $0x1  }
0xa: {  	s16 =	sadd.s32 s9, s8;
	s17 =	sadd.s32 s1, s12;
	s1 =	simm.s32 $0x5  }
0xb: {  	s6 =	sshrl.u32 s6, $0x3;
	s14 =	sshrl.u32 s5, $0x3;
	s18 =	sadd.s32 $0x14000, s16  }
0xc: {  	[dreg:$0x4] =	wrdreg s17;
	s20 =	sadd.s32 $0x10000, s16;
	s22 =	sadd.s32 $0xC000, s16  }
0xd: {  	s24 =	sadd.s32 $0x8000, s16;
	s17 =	simm.s32 $0x7;
	s0 =	sadd.s32 s6, s0  }
0xe: {  	s6 =	ssub.s32 s7, s13;
	s15 =	sadd.s32 s10, s14;
	s19 =	sshrl.u32 s18, $0x3  }
0xf: {  	s21 =	sshrl.u32 s20, $0x3;
	s23 =	sshrl.u32 s22, $0x3;
	s26 =	sshrl.u32 s24, $0x3  }
0x10: {  	s22 =	simm.s32 $0x19900;
	s24 =	simm.s32 $0x8;
	[dreg:$0x5] =	wrdreg s19  }
0x11: {  	s13 =	simm.s32 $0x6;
	s18 =	simm.s32 $0x80;
	[dreg:$0x6] =	wrdreg s21  }
0x12: {  	s20 =	simm.s32 $0x5900;
	s0 =	sadd.s32 $0x400, s0;
	[dreg:$0x7] =	wrdreg s23  }
0x13: {  	s25 =	smax.u32 s6, $0x1;
	[dreg:$0x8] =	wrdreg s26;
	s23 =	simm.s32 $0x1  }
0x14: {  	s26 =	simm.s32 $0x9;
	s6 =	simm.s32 $0x0;
	[dreg:$0x9] =	wrdreg s0  }
0x15: {  	s0 =	sadd.s32 $0x18800, s15;
	[dreg:$0xb] =	wrdreg s25;
	s25 =	simm.s32 $0x2  }
0x16: {  	s15 =	simm.s32 $0xD;
	[dreg:$0xa] =	wrdreg s0;
	s0 =	simm.s32 $0xC  }
.LBB2_1:
0x17: {  	[dreg:$0xc] =	wrdreg s6  }
0x18: {  	s3 =	rddreg [dreg:$0x9];
	s19 =	simm.s32 $0xF  }
0x19: {  	[tilespmem:s4], [sflag:$0xF] =	stream.linear.gather [hbm4b:s3+s4], $0x1900, $0x38;
	[tilespmem:$0x1D900] =	vst v63  }
0x1a: {  	_ =	swait.ge [sflag:s19], $0x1900  }
0x1b: {  	[sflag:s19] =	ssyncset.done $0x0  }
0x1c: {  	s8 =	simm.s32 $0x80;
	[sflag:s19] =	ssyncadd.s32 $0xFFFFE700  }
0x1d: {  	[tilespmem:s11], [sflag:$0x1] =	stream.indirect.gather [hbm4b:s2+s8], $0x80, s4, s8, $0xb8;
	[tilespmem:$0x1D900] =	vst v63  }
0x1e: {  	s9 =	simm.s32 $0x5900  }
0x1f: {  	[tilespmem:s9], [sflag:$0x2] =	stream.indirect.gather [hbm4b:s2+s8], $0x80, s8, s8, $0xb8;
	[tilespmem:$0x1D900] =	vst v63  }
0x20: {  	s21 =	simm.s32 $0x100;
	s12 =	simm.s32 $0x9900  }
0x21: {  	[tilespmem:s12], [sflag:$0x3] =	stream.indirect.gather [hbm4b:s2+s8], $0x80, s21, s8, $0xb8;
	[tilespmem:$0x1D900] =	vst v63  }
0x22: {  	s6 =	simm.s32 $0x180;
	s14 =	simm.s32 $0xD900  }
0x23: {  	[tilespmem:s14], [sflag:$0x4] =	stream.indirect.gather [hbm4b:s2+s8], $0x80, s6, s8, $0xb8;
	[tilespmem:$0x1D900] =	vst v63  }
0x24: {  	s7 =	simm.s32 $0x200;
	s16 =	simm.s32 $0x11900  }
0x25: {  	[tilespmem:s16], [sflag:$0x5] =	stream.indirect.gather [hbm4b:s2+s8], $0x80, s7, s8, $0xb8;
	[tilespmem:$0x1D900] =	vst v63  }
0x26: {  	s10 =	simm.s32 $0x280;
	p0 =	por $0x1, $0x1;
	s19 =	simm.s32 $0x15900  }
0x27: {  	[tilespmem:s19], [sflag:$0x6] =	stream.indirect.gather [hbm4b:s2+s8], $0x80, s10, s8, $0xb8;
	[tilespmem:$0x1D900] =	vst v63  }
0x28: {  	s3 =	simm.s32 @!p0 $0xE;
	s21 =	simm.s32 $0x300  }
0x29: {  	[tilespmem:s22], [sflag:$0x7] =	stream.indirect.gather [hbm4b:s2+s8], $0x80, s21, s8, $0xb8;
	[tilespmem:$0x1D900] =	vst v63  }
0x2a: {  	_ =	swait.ge @!p0 [sflag:s3], $0x4000  }
0x2b: {  	s6 =	simm.s32 @!p0 $0x19900;
	[sflag:s3] =	ssyncset.done @!p0 $0x0  }
0x2c: {  	s7 =	simm.s32 @!p0 $0x80;
	[sflag:s3] =	ssyncadd.s32 @!p0 $0xFFFFC000;
	s3 =	simm.s32 @!p0 $0x300  }
0x2d: {  	[tilespmem:s6], [sflag:$0x7] =	stream.indirect.gather @!p0 [hbm4b:s2+s7], $0x80, s3, s7, $0xb8;
	[tilespmem:$0x1D900] =	vst v63  }
0x2e: {  	_ =	swait.ge [sflag:s23], $0x4000  }
0x2f: {  	[sflag:s23] =	ssyncset.done $0x0  }
0x30: {  	s6 =	rddreg [dreg:$0x4];
	[sflag:s23] =	ssyncadd.s32 $0xFFFFC000  }
0x31: {  	s10 =	rddreg [dreg:$0x2]  }
0x32: {  	s3 =	sadd.s32 s10, s6  }
0x33: {  	[hbm4b:s3+s4] =	stream.linear.scatter [tilespmem:s11], [sflag:$0x8], $0x4000, $0x38;
	[tilespmem:$0x1D900] =	vst v63  }
0x34: {  	_ =	swait.ge [sflag:s24], $0x4000  }
0x35: {  	[sflag:s24] =	ssyncset.done $0x0  }
0x36: {  	s7 =	simm.s32 $0x380;
	[sflag:s24] =	ssyncadd.s32 $0xFFFFC000  }
0x37: {  	[tilespmem:s11], [sflag:$0x1] =	stream.indirect.gather [hbm4b:s2+s8], $0x80, s7, s8, $0xb8;
	[tilespmem:$0x1D900] =	vst v63  }
0x38: {  	_ =	swait.ge [sflag:s25], $0x4000  }
0x39: {  	[sflag:s25] =	ssyncset.done $0x0  }
0x3a: {  	s3 =	sadd.s32 $0x800, s3;
	[sflag:s25] =	ssyncadd.s32 $0xFFFFC000  }
0x3b: {  	[hbm4b:s3+s4] =	stream.linear.scatter [tilespmem:s9], [sflag:$0x9], $0x4000, $0x38;
	[tilespmem:$0x1D900] =	vst v63  }
0x3c: {  	p1 =	por $0x0, $0x0;
	_ =	swait.ge [sflag:s26], $0x4000  }
0x3d: {  	s6 =	simm.s32 @!p1 $0x400;
	[sflag:s26] =	ssyncset.done $0x0  }
0x3e: {  	s7 =	simm.s32 @!p1 $0x80;
	s3 =	simm.s32 @!p1 $0x5900;
	[sflag:s26] =	ssyncadd.s32 $0xFFFFC000  }
0x3f: {  	[tilespmem:s3], [sflag:$0x2] =	stream.indirect.gather @!p1 [hbm4b:s2+s7], $0x80, s6, s7, $0xb8;
	[tilespmem:$0x1D900] =	vst v63  }
0x40: {  	_ =	swait.ge [sflag:s28], $0x4000  }
0x41: {  	s9 =	rddreg [dreg:$0x8];
	[sflag:s28] =	ssyncset.done $0x0  }
0x42: {  	[sflag:s28] =	ssyncadd.s32 $0xFFFFC000;
	s3 =	sadd.s32 s10, s9  }
0x43: {  	[hbm4b:s3+s4] =	stream.linear.scatter [tilespmem:s12], [sflag:$0xA], $0x4000, $0x38;
	[tilespmem:$0x1D900] =	vst v63  }
0x44: {  	_ =	swait.ge [sflag:s29], $0x4000  }
0x45: {  	[sflag:s29] =	ssyncset.done $0x0  }
0x46: {  	s6 =	simm.s32 @!p1 $0x9900;
	s3 =	simm.s32 @!p1 $0x480;
	[sflag:s29] =	ssyncadd.s32 $0xFFFFC000  }
0x47: {  	[tilespmem:s6], [sflag:$0x3] =	stream.indirect.gather @!p1 [hbm4b:s2+s7], $0x80, s3, s7, $0xb8;
	[tilespmem:$0x1D900] =	vst v63  }
0x48: {  	_ =	swait.ge [sflag:s30], $0x4000  }
0x49: {  	s12 =	rddreg [dreg:$0x7];
	[sflag:s30] =	ssyncset.done $0x0  }
0x4a: {  	[sflag:s30] =	ssyncadd.s32 $0xFFFFC000;
	s3 =	sadd.s32 s10, s12  }
0x4b: {  	[hbm4b:s3+s4] =	stream.linear.scatter [tilespmem:s14], [sflag:$0xB], $0x4000, $0x38;
	[tilespmem:$0x1D900] =	vst v63  }
0x4c: {  	_ =	swait.ge [sflag:s31], $0x4000  }
0x4d: {  	[sflag:s31] =	ssyncset.done $0x0  }
0x4e: {  	s6 =	simm.s32 @!p1 $0xD900;
	s3 =	simm.s32 @!p1 $0x500;
	[sflag:s31] =	ssyncadd.s32 $0xFFFFC000  }
0x4f: {  	[tilespmem:s6], [sflag:$0x4] =	stream.indirect.gather @!p1 [hbm4b:s2+s7], $0x80, s3, s7, $0xb8;
	[tilespmem:$0x1D900] =	vst v63  }
0x50: {  	_ =	swait.ge [sflag:s1], $0x4000  }
0x51: {  	s14 =	rddreg [dreg:$0x6];
	[sflag:s1] =	ssyncset.done $0x0  }
0x52: {  	[sflag:s1] =	ssyncadd.s32 $0xFFFFC000;
	s3 =	sadd.s32 s10, s14  }
0x53: {  	[hbm4b:s3+s4] =	stream.linear.scatter [tilespmem:s16], [sflag:$0xC], $0x4000, $0x38;
	[tilespmem:$0x1D900] =	vst v63  }
0x54: {  	_ =	swait.ge [sflag:s0], $0x4000  }
0x55: {  	[sflag:s0] =	ssyncset.done $0x0  }
0x56: {  	s6 =	simm.s32 @!p1 $0x11900;
	s3 =	simm.s32 @!p1 $0x580;
	[sflag:s0] =	ssyncadd.s32 $0xFFFFC000  }
0x57: {  	[tilespmem:s6], [sflag:$0x5] =	stream.indirect.gather @!p1 [hbm4b:s2+s7], $0x80, s3, s7, $0xb8;
	[tilespmem:$0x1D900] =	vst v63  }
0x58: {  	_ =	swait.ge [sflag:s13], $0x4000  }
0x59: {  	s16 =	rddreg [dreg:$0x5];
	[sflag:s13] =	ssyncset.done $0x0  }
0x5a: {  	s8 =	simm.s32 $0xE00;
	[sflag:s13] =	ssyncadd.s32 $0xFFFFC000;
	s3 =	sadd.s32 s10, s16  }
0x5b: {  	[hbm4b:s3+s4] =	stream.linear.scatter [tilespmem:s19], [sflag:$0xD], $0x4000, $0x38;
	[tilespmem:$0x1D900] =	vst v63  }
0x5c: {  	s9 =	simm.s32 @!p1 $0x15900;
	s6 =	simm.s32 $0x18000;
	_ =	swait.ge [sflag:s15], $0x4000  }
0x5d: {  	s6 =	simm.s32 @p0 $0x18000;
	p0 =	por $0x0, $0x0;
	[sflag:s15] =	ssyncset.done $0x0  }
0x5e: {  	s21 =	sadd.s32 s5, s6;
	s3 =	simm.s32 @!p1 $0x600;
	[sflag:s15] =	ssyncadd.s32 $0xFFFFC000  }
0x5f: {  	[tilespmem:s9], [sflag:$0x6] =	stream.indirect.gather @!p1 [hbm4b:s2+s7], $0x80, s3, s7, $0xb8;
	[tilespmem:$0x1D900] =	vst v63  }
0x60: {  	s6 =	simm.s32 $0x34000;
	s9 =	simm.s32 $0x1C00;
	_ =	swait.ge [sflag:s17], $0x4000  }
0x61: {  	s7 =	sadd.s32 $0x3800, s10;
	s3 =	sshrl.u32 s21, $0x3;
	[sflag:s17] =	ssyncset.done $0x0  }
.LBB2_2:
0x62: {  	[sflag:s17] =	ssyncadd.s32 $0xFFFFC000  }
0x63: {  	s10 =	rddreg [dreg:$0x2]  }
0x64: {  	s19 =	simm.s32 @!p0 $0xE;
	s3 =	sadd.s32 s10, s3  }
0x65: {  	[hbm4b:s3+s4] =	stream.linear.scatter [tilespmem:s22], [sflag:$0xE], $0x4000, $0x38;
	[tilespmem:$0x1D900] =	vst v63  }
0x66: {  	_ =	swait.ge @!p0 [sflag:s19], $0x4000  }
0x67: {  	s21 =	sshra.s32 @!p0 s8, $0x2;
	s12 =	simm.s32 @!p0 $0x19900;
	[sflag:s19] =	ssyncset.done @!p0 $0x0  }
0x68: {  	[sflag:s19] =	ssyncadd.s32 @!p0 $0xFFFFC000;
	s19 =	sadd.s32 @!p0 $0x300, s21;
	s21 =	simm.s32 @!p0 $0x80  }
0x69: {  	[tilespmem:s12], [sflag:$0x7] =	stream.indirect.gather @!p0 [hbm4b:s2+s21], $0x80, s19, s21, $0xb8;
	[tilespmem:$0x1D900] =	vst v63  }
0x6a: {  	_ =	swait.ge [sflag:s23], $0x4000  }
0x6b: {  	s21 =	rddreg [dreg:$0x4];
	[sflag:s23] =	ssyncset.done $0x0  }
0x6c: {  	[sflag:s23] =	ssyncadd.s32 $0xFFFFC000;
	s12 =	sadd.s32 s7, s21  }
0x6d: {  	[hbm4b:s12+s4] =	stream.linear.scatter [tilespmem:s11], [sflag:$0x8], $0x4000, $0x38;
	[tilespmem:$0x1D900] =	vst v63  }
0x6e: {  	_ =	swait.ge [sflag:s24], $0x4000  }
0x6f: {  	s10 =	sshra.s32 s8, $0x2;
	[sflag:s24] =	ssyncset.done $0x0  }
0x70: {  	s19 =	sadd.s32 $0x380, s10;
	[sflag:s24] =	ssyncadd.s32 $0xFFFFC000  }
0x71: {  	[tilespmem:s11], [sflag:$0x1] =	stream.indirect.gather [hbm4b:s2+s18], $0x80, s19, s18, $0xb8;
	[tilespmem:$0x1D900] =	vst v63  }
0x72: {  	_ =	swait.ge [sflag:s25], $0x4000  }
0x73: {  	p2 =	seq.s32 s8, $0x5400;
	[sflag:s25] =	ssyncset.done $0x0  }
0x74: {  	s8 =	sshra.s32 @!p2 s8, $0x2;
	s12 =	sadd.s32 $0x800, s12;
	[sflag:s25] =	ssyncadd.s32 $0xFFFFC000  }
0x75: {  	[hbm4b:s12+s4] =	stream.linear.scatter [tilespmem:s20], [sflag:$0x9], $0x4000, $0x38;
	[tilespmem:$0x1D900] =	vst v63  }
0x76: {  	s3 =	smov.u32 s9;
	s16 =	sadd.s32 @!p2 $0x580, s8;
	_ =	swait.ge [sflag:s26], $0x4000  }
0x77: {  	s10 =	sadd.s32 @!p2 $0x500, s8;
	s21 =	sadd.s32 @!p2 $0x400, s8;
	[sflag:s26] =	ssyncset.done $0x0  }
0x78: {  	s19 =	simm.s32 @!p2 $0x80;
	s12 =	simm.s32 @!p2 $0x5900;
	[sflag:s26] =	ssyncadd.s32 $0xFFFFC000  }
0x79: {  	[tilespmem:s12], [sflag:$0x2] =	stream.indirect.gather @!p2 [hbm4b:s2+s19], $0x80, s21, s19, $0xb8;
	[tilespmem:$0x1D900] =	vst v63  }
0x7a: {  	s12 =	sadd.s32 @!p2 $0x480, s8;
	s21 =	sadd.s32 @!p2 $0x600, s8;
	_ =	swait.ge [sflag:s28], $0x4000  }
0x7b: {  	s8 =	smov.u32 s3;
	s14 =	rddreg [dreg:$0x8];
	[sflag:s28] =	ssyncset.done $0x0  }
0x7c: {  	[sflag:s28] =	ssyncadd.s32 $0xFFFFC000;
	s3 =	sadd.s32 s7, s14;
	s14 =	simm.s32 $0x9900  }
0x7d: {  	[hbm4b:s3+s4] =	stream.linear.scatter [tilespmem:s14], [sflag:$0xA], $0x4000, $0x38;
	[tilespmem:$0x1D900] =	vst v63  }
0x7e: {  	_ =	swait.ge [sflag:s29], $0x4000  }
0x7f: {  	[sflag:s29] =	ssyncset.done $0x0  }
0x80: {  	s3 =	simm.s32 @!p2 $0x9900;
	[sflag:s29] =	ssyncadd.s32 $0xFFFFC000  }
0x81: {  	[tilespmem:s3], [sflag:$0x3] =	stream.indirect.gather @!p2 [hbm4b:s2+s19], $0x80, s12, s19, $0xb8;
	[tilespmem:$0x1D900] =	vst v63  }
0x82: {  	_ =	swait.ge [sflag:s30], $0x4000  }
0x83: {  	s12 =	rddreg [dreg:$0x7];
	[sflag:s30] =	ssyncset.done $0x0  }
0x84: {  	s14 =	simm.s32 $0xD900;
	[sflag:s30] =	ssyncadd.s32 $0xFFFFC000;
	s3 =	sadd.s32 s7, s12  }
0x85: {  	[hbm4b:s3+s4] =	stream.linear.scatter [tilespmem:s14], [sflag:$0xB], $0x4000, $0x38;
	[tilespmem:$0x1D900] =	vst v63  }
0x86: {  	_ =	swait.ge [sflag:s31], $0x4000  }
0x87: {  	[sflag:s31] =	ssyncset.done $0x0  }
0x88: {  	s3 =	simm.s32 @!p2 $0xD900;
	[sflag:s31] =	ssyncadd.s32 $0xFFFFC000  }
0x89: {  	[tilespmem:s3], [sflag:$0x4] =	stream.indirect.gather @!p2 [hbm4b:s2+s19], $0x80, s10, s19, $0xb8;
	[tilespmem:$0x1D900] =	vst v63  }
0x8a: {  	_ =	swait.ge [sflag:s1], $0x4000  }
0x8b: {  	s10 =	rddreg [dreg:$0x6];
	[sflag:s1] =	ssyncset.done $0x0  }
0x8c: {  	s12 =	simm.s32 $0x11900;
	[sflag:s1] =	ssyncadd.s32 $0xFFFFC000;
	s3 =	sadd.s32 s7, s10  }
0x8d: {  	[hbm4b:s3+s4] =	stream.linear.scatter [tilespmem:s12], [sflag:$0xC], $0x4000, $0x38;
	[tilespmem:$0x1D900] =	vst v63  }
0x8e: {  	_ =	swait.ge [sflag:s0], $0x4000  }
0x8f: {  	[sflag:s0] =	ssyncset.done $0x0  }
0x90: {  	s3 =	simm.s32 @!p2 $0x11900;
	[sflag:s0] =	ssyncadd.s32 $0xFFFFC000  }
0x91: {  	[tilespmem:s3], [sflag:$0x5] =	stream.indirect.gather @!p2 [hbm4b:s2+s19], $0x80, s16, s19, $0xb8;
	[tilespmem:$0x1D900] =	vst v63  }
0x92: {  	_ =	swait.ge [sflag:s13], $0x4000  }
0x93: {  	s9 =	sadd.s32 $0xE00, s9;
	s14 =	rddreg [dreg:$0x5];
	[sflag:s13] =	ssyncset.done $0x0  }
0x94: {  	s16 =	simm.s32 $0x15900;
	[sflag:s13] =	ssyncadd.s32 $0xFFFFC000;
	s3 =	sadd.s32 s7, s14  }
0x95: {  	[hbm4b:s3+s4] =	stream.linear.scatter [tilespmem:s16], [sflag:$0xD], $0x4000, $0x38;
	[tilespmem:$0x1D900] =	vst v63  }
0x96: {  	p1 =	sne.s32 s9, $0x6200;
	s10 =	simm.s32 @!p2 $0x15900;
	_ =	swait.ge [sflag:s15], $0x4000  }
.Ltmp0:
0x97: {  	s3 =	smov.u32 s6;
	[sflag:s15] =	ssyncset.done $0x0;
	(pc) =	sbr.rel @p1 .LBB2_2-.Ltmp0, $4  }
0x98: {  	s7 =	sadd.s32 $0x3800, s7;
	s3 =	simm.s32 @p0 $0x18000;
	[sflag:s15] =	ssyncadd.s32 $0xFFFFC000  }
0x99: {  	[tilespmem:s10], [sflag:$0x6] =	stream.indirect.gather @!p2 [hbm4b:s2+s19], $0x80, s21, s19, $0xb8;
	[tilespmem:$0x1D900] =	vst v63  }
0x9a: {  	s6 =	sadd.s32 $0x1C000, s6;
	s3 =	sadd.s32 s5, s3;
	_ =	swait.ge [sflag:s17], $0x4000  }
0x9b: {  	p0 =	seq.s32 s8, $0x0;
	s3 =	sshrl.u32 s3, $0x3;
	[sflag:s17] =	ssyncset.done $0x0  }
0x9c: {  	[sflag:s17] =	ssyncadd.s32 $0xFFFFC000  }
0x9d: {  	s12 =	rddreg [dreg:$0x2]  }
0x9e: {  	s9 =	simm.s32 @!p0 $0xE;
	s14 =	simm.s32 $0x19900;
	s3 =	sadd.s32 s12, s3  }
0x9f: {  	[hbm4b:s3+s4] =	stream.linear.scatter [tilespmem:s14], [sflag:$0xE], $0x4000, $0x38;
	[tilespmem:$0x1D900] =	vst v63  }
0xa0: {  	_ =	swait.ge @!p0 [sflag:s9], $0x4000  }
0xa1: {  	s10 =	simm.s32 @!p0 $0x19900;
	s3 =	sshra.s32 @!p0 s8, $0x2;
	[sflag:s9] =	ssyncset.done @!p0 $0x0  }
0xa2: {  	s3 =	sadd.s32 @!p0 $0x300, s3;
	[sflag:s9] =	ssyncadd.s32 @!p0 $0xFFFFC000;
	s9 =	simm.s32 @!p0 $0x80  }
0xa3: {  	[tilespmem:s10], [sflag:$0x7] =	stream.indirect.gather @!p0 [hbm4b:s2+s9], $0x80, s3, s9, $0xb8;
	[tilespmem:$0x1D900] =	vst v63  }
0xa4: {  	_ =	swait.ge [sflag:s23], $0x4000  }
0xa5: {  	s16 =	rddreg [dreg:$0x4];
	[sflag:s23] =	ssyncset.done $0x0  }
0xa6: {  	[sflag:s23] =	ssyncadd.s32 $0xFFFFC000;
	s3 =	sadd.s32 s7, s16  }
0xa7: {  	[hbm4b:s3+s4] =	stream.linear.scatter [tilespmem:s11], [sflag:$0x8], $0x4000, $0x38;
	[tilespmem:$0x1D900] =	vst v63  }
0xa8: {  	_ =	swait.ge [sflag:s24], $0x4000  }
0xa9: {  	s19 =	sshra.s32 s8, $0x2;
	[sflag:s24] =	ssyncset.done $0x0  }
0xaa: {  	s9 =	sadd.s32 $0x380, s19;
	[sflag:s24] =	ssyncadd.s32 $0xFFFFC000  }
0xab: {  	[tilespmem:s11], [sflag:$0x1] =	stream.indirect.gather [hbm4b:s2+s18], $0x80, s9, s18, $0xb8;
	[tilespmem:$0x1D900] =	vst v63  }
0xac: {  	_ =	swait.ge [sflag:s25], $0x4000  }
0xad: {  	[sflag:s25] =	ssyncset.done $0x0  }
0xae: {  	s3 =	sadd.s32 $0x800, s3;
	[sflag:s25] =	ssyncadd.s32 $0xFFFFC000  }
0xaf: {  	[hbm4b:s3+s4] =	stream.linear.scatter [tilespmem:s20], [sflag:$0x9], $0x4000, $0x38;
	[tilespmem:$0x1D900] =	vst v63  }
0xb0: {  	p1 =	seq.s32 s8, $0x5400;
	_ =	swait.ge [sflag:s26], $0x4000  }
0xb1: {  	s10 =	simm.s32 @!p1 $0x80;
	s3 =	sshra.s32 @!p1 s8, $0x2;
	[sflag:s26] =	ssyncset.done $0x0  }
0xb2: {  	s8 =	simm.s32 @!p1 $0x5900;
	s9 =	sadd.s32 @!p1 $0x400, s3;
	[sflag:s26] =	ssyncadd.s32 $0xFFFFC000  }
0xb3: {  	[tilespmem:s8], [sflag:$0x2] =	stream.indirect.gather @!p1 [hbm4b:s2+s10], $0x80, s9, s10, $0xb8;
	[tilespmem:$0x1D900] =	vst v63  }
0xb4: {  	_ =	swait.ge [sflag:s28], $0x4000  }
0xb5: {  	s21 =	rddreg [dreg:$0x8];
	[sflag:s28] =	ssyncset.done $0x0  }
0xb6: {  	s22 =	simm.s32 $0x9900;
	[sflag:s28] =	ssyncadd.s32 $0xFFFFC000;
	s8 =	sadd.s32 s7, s21  }
0xb7: {  	[hbm4b:s8+s4] =	stream.linear.scatter [tilespmem:s22], [sflag:$0xA], $0x4000, $0x38;
	[tilespmem:$0x1D900] =	vst v63  }
0xb8: {  	_ =	swait.ge [sflag:s29], $0x4000  }
0xb9: {  	[sflag:s29] =	ssyncset.done $0x0  }
0xba: {  	s9 =	simm.s32 @!p1 $0x9900;
	s8 =	sadd.s32 @!p1 $0x480, s3;
	[sflag:s29] =	ssyncadd.s32 $0xFFFFC000  }
0xbb: {  	[tilespmem:s9], [sflag:$0x3] =	stream.indirect.gather @!p1 [hbm4b:s2+s10], $0x80, s8, s10, $0xb8;
	[tilespmem:$0x1D900] =	vst v63  }
0xbc: {  	_ =	swait.ge [sflag:s30], $0x4000  }
0xbd: {  	s9 =	rddreg [dreg:$0x7];
	[sflag:s30] =	ssyncset.done $0x0  }
0xbe: {  	s16 =	simm.s32 $0xD900;
	[sflag:s30] =	ssyncadd.s32 $0xFFFFC000;
	s8 =	sadd.s32 s7, s9  }
0xbf: {  	[hbm4b:s8+s4] =	stream.linear.scatter [tilespmem:s16], [sflag:$0xB], $0x4000, $0x38;
	[tilespmem:$0x1D900] =	vst v63  }
0xc0: {  	_ =	swait.ge [sflag:s31], $0x4000  }
0xc1: {  	[sflag:s31] =	ssyncset.done $0x0  }
0xc2: {  	s9 =	simm.s32 @!p1 $0xD900;
	s8 =	sadd.s32 @!p1 $0x500, s3;
	[sflag:s31] =	ssyncadd.s32 $0xFFFFC000  }
0xc3: {  	[tilespmem:s9], [sflag:$0x4] =	stream.indirect.gather @!p1 [hbm4b:s2+s10], $0x80, s8, s10, $0xb8;
	[tilespmem:$0x1D900] =	vst v63  }
0xc4: {  	_ =	swait.ge [sflag:s1], $0x4000  }
0xc5: {  	s19 =	rddreg [dreg:$0x6];
	[sflag:s1] =	ssyncset.done $0x0  }
0xc6: {  	s21 =	simm.s32 $0x11900;
	[sflag:s1] =	ssyncadd.s32 $0xFFFFC000;
	s8 =	sadd.s32 s7, s19  }
0xc7: {  	[hbm4b:s8+s4] =	stream.linear.scatter [tilespmem:s21], [sflag:$0xC], $0x4000, $0x38;
	[tilespmem:$0x1D900] =	vst v63  }
0xc8: {  	_ =	swait.ge [sflag:s0], $0x4000  }
0xc9: {  	[sflag:s0] =	ssyncset.done $0x0  }
0xca: {  	s9 =	simm.s32 @!p1 $0x11900;
	s8 =	sadd.s32 @!p1 $0x580, s3;
	[sflag:s0] =	ssyncadd.s32 $0xFFFFC000  }
0xcb: {  	[tilespmem:s9], [sflag:$0x5] =	stream.indirect.gather @!p1 [hbm4b:s2+s10], $0x80, s8, s10, $0xb8;
	[tilespmem:$0x1D900] =	vst v63  }
0xcc: {  	_ =	swait.ge [sflag:s13], $0x4000  }
0xcd: {  	s22 =	rddreg [dreg:$0x5];
	[sflag:s13] =	ssyncset.done $0x0  }
0xce: {  	s9 =	simm.s32 $0x15900;
	s8 =	sadd.s32 s7, s22;
	[sflag:s13] =	ssyncadd.s32 $0xFFFFC000  }
0xcf: {  	[hbm4b:s8+s4] =	stream.linear.scatter [tilespmem:s9], [sflag:$0xD], $0x4000, $0x38;
	[tilespmem:$0x1D900] =	vst v63  }
0xd0: {  	_ =	swait.ge [sflag:s15], $0x4000  }
0xd1: {  	s6 =	simm.s32 @p0 $0x18000;
	[sflag:s15] =	ssyncset.done $0x0  }
0xd2: {  	s3 =	sadd.s32 @!p1 $0x600, s3;
	s7 =	simm.s32 @!p1 $0x15900;
	[sflag:s15] =	ssyncadd.s32 $0xFFFFC000  }
0xd3: {  	[tilespmem:s7], [sflag:$0x6] =	stream.indirect.gather @!p1 [hbm4b:s2+s10], $0x80, s3, s10, $0xb8;
	[tilespmem:$0x1D900] =	vst v63  }
0xd4: {  	s10 =	sadd.s32 s5, s6;
	_ =	swait.ge [sflag:s17], $0x4000  }
0xd5: {  	s3 =	sshrl.u32 s10, $0x3;
	[sflag:s17] =	ssyncset.done $0x0  }
0xd6: {  	s3 =	sadd.s32 s12, s3;
	[sflag:s17] =	ssyncadd.s32 $0xFFFFC000  }
0xd7: {  	[hbm4b:s3+s4] =	stream.linear.scatter [tilespmem:s14], [sflag:$0xE], $0x4000, $0x38;
	[tilespmem:$0x1D900] =	vst v63  }
0xd8: {  	s14 =	simm.s32 $0xE  }
0xd9: {  	_ =	swait.ge [sflag:s14], $0x4000  }
0xda: {  	[sflag:s14] =	ssyncset.done $0x0  }
0xdb: {  	[sflag:s14] =	ssyncadd.s32 $0xFFFFC000  }
0xdc: {  	_ =	swait.ge [sflag:s23], $0x4000  }
0xdd: {  	[sflag:s23] =	ssyncset.done $0x0  }
0xde: {  	s16 =	rddreg [dreg:$0xa];
	[sflag:s23] =	ssyncadd.s32 $0xFFFFC000  }
0xdf: {  	[hbm4b:s16+s4] =	stream.linear.scatter [tilespmem:s11], [sflag:$0x8], $0x4000, $0x38;
	[tilespmem:$0x1D900] =	vst v63  }
0xe0: {  	_ =	swait.ge [sflag:s24], $0x4000  }
0xe1: {  	s19 =	rddreg [dreg:$0xc]  }
0xe2: {  	s21 =	rddreg [dreg:$0xb];
	s6 =	sadd.s32 $0x1, s19  }
0xe3: {  	p0 =	sne.s32 s6, s21  }
.Ltmp1:
0xe4: {  	_ = 	snop;
	(pc) =	sbr.rel @p0 .LBB2_1-.Ltmp1, $3  }
0xe5: {  	_ =	sdelay $0x1  }
0xe6: {  	[sflag:s24] =	ssyncset.done $0x0  }
0xe7: {  	s22 =	simm.s32 $0x19900;
	[sflag:s24] =	ssyncadd.s32 $0xFFFFC000  }
0xe8: {  	_ =	sfence.sel $0x180000  }
0xe9: {  	[bflag:$0x0] =	sbarrier.arrive $0xFFFF  }
0xea: {  	_ =	strace $0x90000047  }
0xeb: {  	s0 =	stileid.u32;
	[bflag:$0x2] =	sbarrier.arrive $0xFFFF  }
0xec: {  	p0 =	sne.s32 s0, $0x0;
	s0 =	rddreg [dreg:$0x3]  }
0xed: {  	s0 =	sadd.s32 @!p0 $0x100000, s0  }
0xee: {  	[sflag:s0] =	ssyncadd.tile.s32 @!p0 $0x1;
	_ =	shalt  }
.Lfunc_end2:
_tile_overlayer_lowered:
.L_overlay_start_2:
0xef: {  	(tag) =	ssettag $0x2  }
0xf0: {  	s0 =	rddreg [dreg:$0x0];
	s2 =	stileid.u32  }
0xf1: {  	s1 =	rddreg [dreg:$0x1];
	p0 =	sne.s32 s2, $0x0  }
0xf2: {  	s3 =	rddreg [dreg:$0x2];
	[bflag:$0x3] =	sbarrier.arrive $0xFFFF;
	s2 =	simm.s32 @!p0 $0x1C0F  }
0xf3: {  	[timem:s3], [sflag:s2] =	dma.local @!p0 [hbm:s0], s1  }
0xf4: {  	s0 =	simm.s32 @!p0 $0xF  }
0xf5: {  	_ =	swait.ge @!p0 [sflag:s0], s1  }
0xf6: {  	s1 =	ssub.s32 @!p0 $0x0, s1;
	[sflag:s0] =	ssyncset.done @!p0 $0x0  }
0xf7: {  	[sflag:s0] =	ssyncadd.s32 @!p0 s1  }
0xf8: {  	[bflag:$0x3] =	sbarrier.arrive $0xFFFF  }
0xf9: {  	_ =	shalt  }

</sc_bundles>
